<compile_context>
chip_gen: v7x
topology: tpu7x:2x2x1
jax: 0.10.2.dev20260603
libtpu: 0.0.44.dev20260713+nightly
codegen_flags: <defaults>
</compile_context>

<pallas_src>
import functools

import jax
import jax.numpy as jnp
from jax import lax
from jax.experimental import pallas as pl
from jax.experimental.pallas import tpu as pltpu
from jax.experimental.pallas import tpu_sc as plsc

B, S, DIN = 4, 2048, 1024
G, C = 2, 320
DG = 256
N = B * S
TILE = 1024
NTILES = N // TILE
TPB = S // TILE
PPW = 512
NHALF = TILE // PPW

NC, NS = 2, 16
NW = NC * NS
BTOT = N * G
CHUNK = 128


def _tc_body(vl_ref, x_ref, w_ref, b_ref, g0_ref, g1_ref, fidx_ref, u_ref):
    i = pl.program_id(0)
    logits = lax.dot_general(
        w_ref[...], x_ref[...],
        dimension_numbers=(((0,), (1,)), ((), ())),
        preferred_element_type=jnp.float32) + b_ref[...].T

    sub = lax.broadcasted_iota(jnp.int32, (C, TILE), 0)

    def amax_idx(zg):
        m = jnp.max(zg, axis=0, keepdims=True)
        return jnp.min(jnp.where(zg == m, sub, C), axis=0)

    idx0 = amax_idx(logits[:C, :] + g0_ref[0, 0])
    idx1 = amax_idx(logits[C:, :] + g1_ref[0, 0])
    fidx_ref[...] = jnp.concatenate(
        [idx0[None], idx1[None] + C, jnp.zeros((6, TILE), jnp.int32)],
        axis=0)[None]

    pos = lax.broadcasted_iota(jnp.int32, (1, TILE), 1) + (i % TPB) * TILE
    vl = vl_ref[i // TPB]
    mask = (pos < vl).astype(jnp.float32)

    def soft_sum(lg):
        e = jnp.exp(lg)
        w = mask / jnp.sum(e, axis=0, keepdims=True)
        return jnp.sum(e * w, axis=1, keepdims=True)

    s = jnp.concatenate([soft_sum(logits[:C, :]), soft_sum(logits[C:, :])],
                        axis=0)

    @pl.when(i == 0)
    def _():
        u_ref[...] = jnp.zeros_like(u_ref)

    u_ref[...] += s

    @pl.when(i == NTILES - 1)
    def _():
        tot = (vl_ref[0] + vl_ref[1] + vl_ref[2] + vl_ref[3]).astype(jnp.float32)
        u_ref[...] = u_ref[...] / tot


_tc_call = pl.pallas_call(
    _tc_body,
    grid=(NTILES,),
    in_specs=[
        pl.BlockSpec(memory_space=pltpu.SMEM),
        pl.BlockSpec((TILE, DIN), lambda i: (i, 0)),
        pl.BlockSpec((DIN, G * C), lambda i: (0, 0)),
        pl.BlockSpec((1, G * C), lambda i: (0, 0)),
        pl.BlockSpec((1, 1, C, TILE), lambda i: (i // TPB, 0, 0, i % TPB)),
        pl.BlockSpec((1, 1, C, TILE), lambda i: (i // TPB, 1, 0, i % TPB)),
    ],
    out_specs=[
        pl.BlockSpec((1, 8, TILE), lambda i: (i, 0, 0)),
        pl.BlockSpec((G * C, 1), lambda i: (0, 0)),
    ],
    out_shape=[
        jax.ShapeDtypeStruct((NTILES, 8, TILE), jnp.int32),
        jax.ShapeDtypeStruct((G * C, 1), jnp.float32),
    ],
)


@functools.cache
def _sc_gather_call():
    mesh = plsc.VectorSubcoreMesh(core_axis_name="c", subcore_axis_name="s")

    nch = PPW // CHUNK

    nbuf = 3

    @functools.partial(
        pl.kernel,
        mesh=mesh,
        out_type=jax.ShapeDtypeStruct((N, G * DG), jnp.float32),
        scratch_types=(
            [pltpu.VMEM((CHUNK,), jnp.int32) for _ in range(nbuf)]
            + [pltpu.VMEM((CHUNK, DG), jnp.float32) for _ in range(nbuf)]
            + [pltpu.SemaphoreType.DMA for _ in range(2 * nbuf)]
        ),
    )
    def _sc_gather(table_hbm, idx_hbm, out_hbm, *scratch):
        ivs = scratch[:nbuf]
        rvs = scratch[nbuf:2 * nbuf]
        gsem = scratch[2 * nbuf:3 * nbuf]
        wsem = scratch[3 * nbuf:]
        wid = lax.axis_index("s") * NC + lax.axis_index("c")
        t = wid // (G * NHALF)
        g = (wid // NHALF) % G
        h = wid % NHALF

        def src(k):
            return idx_hbm.at[t, g, pl.ds(h * PPW + k * CHUNK, CHUNK)]

        def dst(k):
            return out_hbm.at[pl.ds(t * TILE + h * PPW + k * CHUNK, CHUNK),
                              pl.ds(g * DG, DG)]

        gathers = [None] * nch
        writes = [None] * nch
        for k in range(nch):
            p = k % nbuf
            if k >= nbuf:
                writes[k - nbuf].wait()
            pltpu.sync_copy(src(k), ivs[p])
            gathers[k] = pltpu.async_copy(table_hbm.at[ivs[p]], rvs[p], gsem[p])
            if k >= 1:
                gathers[k - 1].wait()
                writes[k - 1] = pltpu.async_copy(
                    rvs[(k - 1) % nbuf], dst(k - 1), wsem[(k - 1) % nbuf])
        gathers[nch - 1].wait()
        writes[nch - 1] = pltpu.async_copy(rvs[(nch - 1) % nbuf], dst(nch - 1),
                                           wsem[(nch - 1) % nbuf])
        for k in range(max(0, nch - nbuf), nch):
            writes[k].wait()

    return _sc_gather


def kernel(inputs, valid_lengths, W, b, codebook, temperature, gumbel_noise):
    del temperature
    x = inputs.reshape(N, DIN)
    gt = gumbel_noise.transpose(0, 2, 3, 1)
    fidx, usage = _tc_call(valid_lengths, x, W, b.reshape(1, G * C), gt, gt)
    q = _sc_gather_call()(codebook.reshape(G * C, DG), fidx)
    return q.reshape(B, S, G * DG), usage.reshape(G, C)

# --- scband reference (transcript-rebuilt; emitter-appended) ---
"""Pipeline reference for scband-gumbel-vector-quantizer-57011395887453 (READ-ONLY COPY).

The authoritative reference and input builder live on the scoring server;
editing this copy changes nothing except your own understanding.
"""

import jax, jax.numpy as jnp
import numpy as np

B, S, DIN = 4, 2048, 1024
G, C = 2, 320
DOUT = 512
DG = DOUT // G


def setup_inputs(seed: int = 0) -> dict:
    key = jax.random.key(seed)
    ks = jax.random.split(key, 6)
    inputs = jax.random.normal(ks[0], (B, S, DIN), dtype=jnp.float32)
    valid_lengths = jax.random.randint(ks[1], (B,), 0, S, dtype=jnp.int32)
    # projector (nn.Linear(DIN, G*C)) parameters
    bound = 1.0 / np.sqrt(DIN)
    W = jax.random.uniform(ks[2], (DIN, G * C), minval=-bound, maxval=bound, dtype=jnp.float32)
    b = jax.random.uniform(ks[3], (G * C,), minval=-bound, maxval=bound, dtype=jnp.float32)
    # codebook: uniform(-1/C, 1/C), shape [G, C, DOUT//G]
    codebook = jax.random.uniform(ks[4], (G, C, DG), minval=-1.0 / C, maxval=1.0 / C, dtype=jnp.float32)
    temperature = jnp.asarray(2.0, dtype=jnp.float32)
    # pre-sampled gumbel noise (torch F.gumbel_softmax samples this internally)
    gumbel_noise = jax.random.gumbel(ks[5], (B, S, G, C), dtype=jnp.float32)
    return {
        "inputs": inputs,
        "valid_lengths": valid_lengths,
        "W": W,
        "b": b,
        "codebook": codebook,
        "temperature": temperature,
        "gumbel_noise": gumbel_noise,
    }


def reference(inputs, valid_lengths, W, b, codebook, temperature, gumbel_noise):
    bsz, seq, _ = inputs.shape
    g, c = codebook.shape[0], codebook.shape[1]
    logits = (inputs @ W + b).reshape(bsz, seq, g, c)
    # gumbel_softmax(hard=True) with straight-through estimator
    y_soft = jax.nn.softmax((logits + gumbel_noise) / temperature, axis=-1)
    idx = jnp.argmax(y_soft, axis=-1)
    y_hard = jax.nn.one_hot(idx, c, dtype=y_soft.dtype)
    choice_probs = y_hard + y_soft - jax.lax.stop_gradient(y_soft)
    # usage statistics from plain softmax probabilities
    soft_probs = jax.nn.softmax(logits, axis=-1)
    mask = (jnp.arange(seq)[None, :] < valid_lengths[:, None]).astype(jnp.float32)
    masked_sum = jnp.sum(soft_probs * mask[:, :, None, None], axis=(0, 1))
    normalizer = jnp.sum(mask)
    usage = masked_sum / normalizer
    quantized = jnp.einsum('bsgc,gcd->bsgd', choice_probs, codebook)
    quantized = quantized.reshape(bsz, seq, -1)
    return (quantized, usage)

if __name__ == "__main__":
    import jax
    _d = setup_inputs()
    print(jax.jit(kernel)(*tuple(_d.values())))

</pallas_src>

<mosaic_0001>
#map = affine_map<(d0, d1) -> (0, 0)>
#map1 = affine_map<(d0, d1) -> (0, 0, 0)>
module attributes {stable_mosaic.version = 14 : i64} {
  func.func @_sc_gather(%arg0: i32, %arg1: i32, %arg2: memref<640x256xf32, #tpu.memory_space<hbm>>, %arg3: memref<8x8x1024xi32, #tpu.memory_space<hbm>>, %arg4: memref<8192x512xf32, #tpu.memory_space<hbm>>, %arg5: memref<128xi32, #tpu.memory_space<vmem>>, %arg6: memref<128xi32, #tpu.memory_space<vmem>>, %arg7: memref<128xi32, #tpu.memory_space<vmem>>, %arg8: memref<128x256xf32, #tpu.memory_space<vmem>>, %arg9: memref<128x256xf32, #tpu.memory_space<vmem>>, %arg10: memref<128x256xf32, #tpu.memory_space<vmem>>, %arg11: memref<!tpu.dma_semaphore, #tpu.memory_space<semaphore_mem>>, %arg12: memref<!tpu.dma_semaphore, #tpu.memory_space<semaphore_mem>>, %arg13: memref<!tpu.dma_semaphore, #tpu.memory_space<semaphore_mem>>, %arg14: memref<!tpu.dma_semaphore, #tpu.memory_space<semaphore_mem>>, %arg15: memref<!tpu.dma_semaphore, #tpu.memory_space<semaphore_mem>>, %arg16: memref<!tpu.dma_semaphore, #tpu.memory_space<semaphore_mem>>) attributes {dimension_semantics = [#tpu.dimension_semantics<core_parallel>, #tpu.dimension_semantics<subcore_parallel>], iteration_bounds = array<i64: 2, 16>, scalar_prefetch = 0 : i64, scratch_operands = 12 : i64, tpu.core_type = #tpu.core_type<sc_vector_subcore>, window_params = [{transform_indices = #map}, {transform_indices = #map1}, {transform_indices = #map}]} {
    %mul3A = arith.constant 2 : i32
    %mul3A_0 = arith.muli %arg1, %mul3A : i32
    %add3A = arith.addi %mul3A_0, %arg0 : i32
    %jit3A = arith.constant 4 : i32
    %div3A = arith.divsi %add3A, %jit3A : i32
    %sign3A = arith.constant 0 : i32
    %sign3A_1 = arith.cmpi sgt, %add3A, %sign3A : i32
    %sign3A_2 = arith.extui %sign3A_1 : i1 to i32
    %sign3A_3 = arith.constant 0 : i32
    %sign3A_4 = arith.cmpi slt, %add3A, %sign3A_3 : i32
    %sign3A_5 = arith.extui %sign3A_4 : i1 to i32
    %sign3A_6 = arith.subi %sign3A_2, %sign3A_5 : i32
    %sign3A_7 = arith.constant 0 : i32
    %sign3A_8 = arith.cmpi sgt, %jit3A, %sign3A_7 : i32
    %sign3A_9 = arith.extui %sign3A_8 : i1 to i32
    %sign3A_10 = arith.constant 0 : i32
    %sign3A_11 = arith.cmpi slt, %jit3A, %sign3A_10 : i32
    %sign3A_12 = arith.extui %sign3A_11 : i1 to i32
    %sign3A_13 = arith.subi %sign3A_9, %sign3A_12 : i32
    %ne3A = arith.cmpi ne, %sign3A_6, %sign3A_13 : i32
    %rem3A = arith.remsi %add3A, %jit3A : i32
    %ne3A_14 = arith.constant 0 : i32
    %ne3A_15 = arith.cmpi ne, %rem3A, %ne3A_14 : i32
    %and3A = arith.andi %ne3A, %ne3A_15 : i1
    %sub3A = arith.constant 1 : i32
    %sub3A_16 = arith.subi %div3A, %sub3A : i32
    %select_n3A = arith.select %and3A, %sub3A_16, %div3A : i32
    %jit3A_17 = arith.constant 2 : i32
    %div3A_18 = arith.divsi %add3A, %jit3A_17 : i32
    %sign3A_19 = arith.constant 0 : i32
    %sign3A_20 = arith.cmpi sgt, %add3A, %sign3A_19 : i32
    %sign3A_21 = arith.extui %sign3A_20 : i1 to i32
    %sign3A_22 = arith.constant 0 : i32
    %sign3A_23 = arith.cmpi slt, %add3A, %sign3A_22 : i32
    %sign3A_24 = arith.extui %sign3A_23 : i1 to i32
    %sign3A_25 = arith.subi %sign3A_21, %sign3A_24 : i32
    %sign3A_26 = arith.constant 0 : i32
    %sign3A_27 = arith.cmpi sgt, %jit3A_17, %sign3A_26 : i32
    %sign3A_28 = arith.extui %sign3A_27 : i1 to i32
    %sign3A_29 = arith.constant 0 : i32
    %sign3A_30 = arith.cmpi slt, %jit3A_17, %sign3A_29 : i32
    %sign3A_31 = arith.extui %sign3A_30 : i1 to i32
    %sign3A_32 = arith.subi %sign3A_28, %sign3A_31 : i32
    %ne3A_33 = arith.cmpi ne, %sign3A_25, %sign3A_32 : i32
    %rem3A_34 = arith.remsi %add3A, %jit3A_17 : i32
    %ne3A_35 = arith.constant 0 : i32
    %ne3A_36 = arith.cmpi ne, %rem3A_34, %ne3A_35 : i32
    %and3A_37 = arith.andi %ne3A_33, %ne3A_36 : i1
    %sub3A_38 = arith.constant 1 : i32
    %sub3A_39 = arith.subi %div3A_18, %sub3A_38 : i32
    %select_n3A_40 = arith.select %and3A_37, %sub3A_39, %div3A_18 : i32
    %jit3A_41 = arith.constant 2 : i32
    %eq3A = arith.constant 0 : i32
    %eq3A_42 = arith.cmpi eq, %jit3A_41, %eq3A : i32
    %jit3A_43 = arith.constant 1 : i32
    %select_n3A_44 = arith.select %eq3A_42, %jit3A_43, %jit3A_41 : i32
    %rem3A_45 = arith.remsi %select_n3A_40, %select_n3A_44 : i32
    %ne3A_46 = arith.constant 0 : i32
    %ne3A_47 = arith.cmpi ne, %rem3A_45, %ne3A_46 : i32
    %lt3A = arith.constant 0 : i32
    %lt3A_48 = arith.cmpi slt, %rem3A_45, %lt3A : i32
    %lt3A_49 = arith.constant 0 : i32
    %lt3A_50 = arith.cmpi slt, %select_n3A_44, %lt3A_49 : i32
    %ne3A_51 = arith.xori %lt3A_48, %lt3A_50 : i1
    %and3A_52 = arith.andi %ne3A_51, %ne3A_47 : i1
    %add3A_53 = arith.addi %rem3A_45, %select_n3A_44 : i32
    %select_n3A_54 = arith.select %and3A_52, %add3A_53, %rem3A_45 : i32
    %jit3A_55 = arith.constant 2 : i32
    %eq3A_56 = arith.constant 0 : i32
    %eq3A_57 = arith.cmpi eq, %jit3A_55, %eq3A_56 : i32
    %jit3A_58 = arith.constant 1 : i32
    %select_n3A_59 = arith.select %eq3A_57, %jit3A_58, %jit3A_55 : i32
    %rem3A_60 = arith.remsi %add3A, %select_n3A_59 : i32
    %ne3A_61 = arith.constant 0 : i32
    %ne3A_62 = arith.cmpi ne, %rem3A_60, %ne3A_61 : i32
    %lt3A_63 = arith.constant 0 : i32
    %lt3A_64 = arith.cmpi slt, %rem3A_60, %lt3A_63 : i32
    %lt3A_65 = arith.constant 0 : i32
    %lt3A_66 = arith.cmpi slt, %select_n3A_59, %lt3A_65 : i32
    %ne3A_67 = arith.xori %lt3A_64, %lt3A_66 : i1
    %and3A_68 = arith.andi %ne3A_67, %ne3A_62 : i1
    %add3A_69 = arith.addi %rem3A_60, %select_n3A_59 : i32
    %select_n3A_70 = arith.select %and3A_68, %add3A_69, %rem3A_60 : i32
    %mul3A_71 = arith.constant 512 : i32
    %mul3A_72 = arith.muli %select_n3A_70, %mul3A_71 : i32
    %add3A_73 = arith.constant 0 : i32
    %add3A_74 = arith.addi %mul3A_72, %add3A_73 : i32
    "tpu.region"() ({
      %run_scoped3A = tpu.sem_alloc : memref<!tpu.dma_semaphore, #tpu.memory_space<semaphore_mem>>
      %dma_start3A_161 = tpu.memref_slice %arg3[%select_n3A, %select_n3A_54, %add3A_74] : memref<8x8x1024xi32, #tpu.memory_space<hbm>> -> memref<1x1x128xi32, #tpu.memory_space<hbm>>
      %dma_start3A_162 = tpu.memref_squeeze %dma_start3A_161 : memref<1x1x128xi32, #tpu.memory_space<hbm>> -> memref<128xi32, #tpu.memory_space<hbm>>
      %dma_start3A_163 = tpu.memref_slice %arg3[%select_n3A, %select_n3A_54, %add3A_74] : memref<8x8x1024xi32, #tpu.memory_space<hbm>> -> memref<1x1x128xi32, #tpu.memory_space<hbm>>
      %dma_start3A_164 = tpu.memref_squeeze %dma_start3A_163 : memref<1x1x128xi32, #tpu.memory_space<hbm>> -> memref<128xi32, #tpu.memory_space<hbm>>
      tpu.enqueue_dma source(%dma_start3A_164 : memref<128xi32, #tpu.memory_space<hbm>>) target(%arg5 : memref<128xi32, #tpu.memory_space<vmem>>) target_semaphore(%run_scoped3A : memref<!tpu.dma_semaphore, #tpu.memory_space<semaphore_mem>>)
      %dma_wait3A_165 = tpu.memref_slice %arg3[%select_n3A, %select_n3A_54, %add3A_74] : memref<8x8x1024xi32, #tpu.memory_space<hbm>> -> memref<1x1x128xi32, #tpu.memory_space<hbm>>
      %dma_wait3A_166 = tpu.memref_squeeze %dma_wait3A_165 : memref<1x1x128xi32, #tpu.memory_space<hbm>> -> memref<128xi32, #tpu.memory_space<hbm>>
      %dma_wait3A_167 = tpu.memref_slice %arg3[%select_n3A, %select_n3A_54, %add3A_74] : memref<8x8x1024xi32, #tpu.memory_space<hbm>> -> memref<1x1x128xi32, #tpu.memory_space<hbm>>
      %dma_wait3A_168 = tpu.memref_squeeze %dma_wait3A_167 : memref<1x1x128xi32, #tpu.memory_space<hbm>> -> memref<128xi32, #tpu.memory_space<hbm>>
      tpu.wait_dma2 semaphore(%run_scoped3A : memref<!tpu.dma_semaphore, #tpu.memory_space<semaphore_mem>>) src(%dma_wait3A_168 : memref<128xi32, #tpu.memory_space<hbm>>) dst(%arg5 : memref<128xi32, #tpu.memory_space<vmem>>)
      tpu.yield
    }) : () -> ()
    %dma_start3A = arith.constant 0 : i32
    %dma_start3A_75 = arith.constant 0 : i32
    %dma_start3A_76 = tpu.memref_slice %arg2[%dma_start3A, %dma_start3A_75] : memref<640x256xf32, #tpu.memory_space<hbm>> -> memref<640x256xf32, #tpu.memory_space<hbm>>
    tpu.enqueue_indirect_dma source(%dma_start3A_76 : memref<640x256xf32, #tpu.memory_space<hbm>>) target(%arg8 : memref<128x256xf32, #tpu.memory_space<vmem>>) offsets(%arg5 : memref<128xi32, #tpu.memory_space<vmem>>) semaphore(%arg11 : memref<!tpu.dma_semaphore, #tpu.memory_space<semaphore_mem>>)
    %mul3A_77 = arith.constant 512 : i32
    %mul3A_78 = arith.muli %select_n3A_70, %mul3A_77 : i32
    %add3A_79 = arith.constant 128 : i32
    %add3A_80 = arith.addi %mul3A_78, %add3A_79 : i32
    "tpu.region"() ({
      %run_scoped3A = tpu.sem_alloc : memref<!tpu.dma_semaphore, #tpu.memory_space<semaphore_mem>>
      %dma_start3A_161 = tpu.memref_slice %arg3[%select_n3A, %select_n3A_54, %add3A_80] : memref<8x8x1024xi32, #tpu.memory_space<hbm>> -> memref<1x1x128xi32, #tpu.memory_space<hbm>>
      %dma_start3A_162 = tpu.memref_squeeze %dma_start3A_161 : memref<1x1x128xi32, #tpu.memory_space<hbm>> -> memref<128xi32, #tpu.memory_space<hbm>>
      %dma_start3A_163 = tpu.memref_slice %arg3[%select_n3A, %select_n3A_54, %add3A_80] : memref<8x8x1024xi32, #tpu.memory_space<hbm>> -> memref<1x1x128xi32, #tpu.memory_space<hbm>>
      %dma_start3A_164 = tpu.memref_squeeze %dma_start3A_163 : memref<1x1x128xi32, #tpu.memory_space<hbm>> -> memref<128xi32, #tpu.memory_space<hbm>>
      tpu.enqueue_dma source(%dma_start3A_164 : memref<128xi32, #tpu.memory_space<hbm>>) target(%arg6 : memref<128xi32, #tpu.memory_space<vmem>>) target_semaphore(%run_scoped3A : memref<!tpu.dma_semaphore, #tpu.memory_space<semaphore_mem>>)
      %dma_wait3A_165 = tpu.memref_slice %arg3[%select_n3A, %select_n3A_54, %add3A_80] : memref<8x8x1024xi32, #tpu.memory_space<hbm>> -> memref<1x1x128xi32, #tpu.memory_space<hbm>>
      %dma_wait3A_166 = tpu.memref_squeeze %dma_wait3A_165 : memref<1x1x128xi32, #tpu.memory_space<hbm>> -> memref<128xi32, #tpu.memory_space<hbm>>
      %dma_wait3A_167 = tpu.memref_slice %arg3[%select_n3A, %select_n3A_54, %add3A_80] : memref<8x8x1024xi32, #tpu.memory_space<hbm>> -> memref<1x1x128xi32, #tpu.memory_space<hbm>>
      %dma_wait3A_168 = tpu.memref_squeeze %dma_wait3A_167 : memref<1x1x128xi32, #tpu.memory_space<hbm>> -> memref<128xi32, #tpu.memory_space<hbm>>
      tpu.wait_dma2 semaphore(%run_scoped3A : memref<!tpu.dma_semaphore, #tpu.memory_space<semaphore_mem>>) src(%dma_wait3A_168 : memref<128xi32, #tpu.memory_space<hbm>>) dst(%arg6 : memref<128xi32, #tpu.memory_space<vmem>>)
      tpu.yield
    }) : () -> ()
    %dma_start3A_81 = arith.constant 0 : i32
    %dma_start3A_82 = arith.constant 0 : i32
    %dma_start3A_83 = tpu.memref_slice %arg2[%dma_start3A_81, %dma_start3A_82] : memref<640x256xf32, #tpu.memory_space<hbm>> -> memref<640x256xf32, #tpu.memory_space<hbm>>
    tpu.enqueue_indirect_dma source(%dma_start3A_83 : memref<640x256xf32, #tpu.memory_space<hbm>>) target(%arg9 : memref<128x256xf32, #tpu.memory_space<vmem>>) offsets(%arg6 : memref<128xi32, #tpu.memory_space<vmem>>) semaphore(%arg12 : memref<!tpu.dma_semaphore, #tpu.memory_space<semaphore_mem>>)
    %dma_wait3A = arith.constant 0 : i32
    %dma_wait3A_84 = arith.constant 0 : i32
    %dma_wait3A_85 = tpu.memref_slice %arg2[%dma_wait3A, %dma_wait3A_84] : memref<640x256xf32, #tpu.memory_space<hbm>> -> memref<640x256xf32, #tpu.memory_space<hbm>>
    tpu.wait_indirect_dma semaphore(%arg11 : memref<!tpu.dma_semaphore, #tpu.memory_space<semaphore_mem>>) src(%dma_wait3A_85 : memref<640x256xf32, #tpu.memory_space<hbm>>) dst(%arg8 : memref<128x256xf32, #tpu.memory_space<vmem>>)
    %mul3A_86 = arith.constant 1024 : i32
    %mul3A_87 = arith.muli %select_n3A, %mul3A_86 : i32
    %mul3A_88 = arith.constant 512 : i32
    %mul3A_89 = arith.muli %select_n3A_70, %mul3A_88 : i32
    %add3A_90 = arith.addi %mul3A_87, %mul3A_89 : i32
    %add3A_91 = arith.constant 0 : i32
    %add3A_92 = arith.addi %add3A_90, %add3A_91 : i32
    %mul3A_93 = arith.constant 256 : i32
    %mul3A_94 = arith.muli %select_n3A_54, %mul3A_93 : i32
    %dma_start3A_95 = tpu.memref_slice %arg4[%add3A_92, %mul3A_94] : memref<8192x512xf32, #tpu.memory_space<hbm>> -> memref<128x256xf32, #tpu.memory_space<hbm>>
    %dma_start3A_96 = tpu.memref_slice %arg4[%add3A_92, %mul3A_94] : memref<8192x512xf32, #tpu.memory_space<hbm>> -> memref<128x256xf32, #tpu.memory_space<hbm>>
    tpu.enqueue_dma source(%arg8 : memref<128x256xf32, #tpu.memory_space<vmem>>) target(%dma_start3A_96 : memref<128x256xf32, #tpu.memory_space<hbm>>) target_semaphore(%arg14 : memref<!tpu.dma_semaphore, #tpu.memory_space<semaphore_mem>>)
    %mul3A_97 = arith.constant 512 : i32
    %mul3A_98 = arith.muli %select_n3A_70, %mul3A_97 : i32
    %add3A_99 = arith.constant 256 : i32
    %add3A_100 = arith.addi %mul3A_98, %add3A_99 : i32
    "tpu.region"() ({
      %run_scoped3A = tpu.sem_alloc : memref<!tpu.dma_semaphore, #tpu.memory_space<semaphore_mem>>
      %dma_start3A_161 = tpu.memref_slice %arg3[%select_n3A, %select_n3A_54, %add3A_100] : memref<8x8x1024xi32, #tpu.memory_space<hbm>> -> memref<1x1x128xi32, #tpu.memory_space<hbm>>
      %dma_start3A_162 = tpu.memref_squeeze %dma_start3A_161 : memref<1x1x128xi32, #tpu.memory_space<hbm>> -> memref<128xi32, #tpu.memory_space<hbm>>
      %dma_start3A_163 = tpu.memref_slice %arg3[%select_n3A, %select_n3A_54, %add3A_100] : memref<8x8x1024xi32, #tpu.memory_space<hbm>> -> memref<1x1x128xi32, #tpu.memory_space<hbm>>
      %dma_start3A_164 = tpu.memref_squeeze %dma_start3A_163 : memref<1x1x128xi32, #tpu.memory_space<hbm>> -> memref<128xi32, #tpu.memory_space<hbm>>
      tpu.enqueue_dma source(%dma_start3A_164 : memref<128xi32, #tpu.memory_space<hbm>>) target(%arg7 : memref<128xi32, #tpu.memory_space<vmem>>) target_semaphore(%run_scoped3A : memref<!tpu.dma_semaphore, #tpu.memory_space<semaphore_mem>>)
      %dma_wait3A_165 = tpu.memref_slice %arg3[%select_n3A, %select_n3A_54, %add3A_100] : memref<8x8x1024xi32, #tpu.memory_space<hbm>> -> memref<1x1x128xi32, #tpu.memory_space<hbm>>
      %dma_wait3A_166 = tpu.memref_squeeze %dma_wait3A_165 : memref<1x1x128xi32, #tpu.memory_space<hbm>> -> memref<128xi32, #tpu.memory_space<hbm>>
      %dma_wait3A_167 = tpu.memref_slice %arg3[%select_n3A, %select_n3A_54, %add3A_100] : memref<8x8x1024xi32, #tpu.memory_space<hbm>> -> memref<1x1x128xi32, #tpu.memory_space<hbm>>
      %dma_wait3A_168 = tpu.memref_squeeze %dma_wait3A_167 : memref<1x1x128xi32, #tpu.memory_space<hbm>> -> memref<128xi32, #tpu.memory_space<hbm>>
      tpu.wait_dma2 semaphore(%run_scoped3A : memref<!tpu.dma_semaphore, #tpu.memory_space<semaphore_mem>>) src(%dma_wait3A_168 : memref<128xi32, #tpu.memory_space<hbm>>) dst(%arg7 : memref<128xi32, #tpu.memory_space<vmem>>)
      tpu.yield
    }) : () -> ()
    %dma_start3A_101 = arith.constant 0 : i32
    %dma_start3A_102 = arith.constant 0 : i32
    %dma_start3A_103 = tpu.memref_slice %arg2[%dma_start3A_101, %dma_start3A_102] : memref<640x256xf32, #tpu.memory_space<hbm>> -> memref<640x256xf32, #tpu.memory_space<hbm>>
    tpu.enqueue_indirect_dma source(%dma_start3A_103 : memref<640x256xf32, #tpu.memory_space<hbm>>) target(%arg10 : memref<128x256xf32, #tpu.memory_space<vmem>>) offsets(%arg7 : memref<128xi32, #tpu.memory_space<vmem>>) semaphore(%arg13 : memref<!tpu.dma_semaphore, #tpu.memory_space<semaphore_mem>>)
    %dma_wait3A_104 = arith.constant 0 : i32
    %dma_wait3A_105 = arith.constant 0 : i32
    %dma_wait3A_106 = tpu.memref_slice %arg2[%dma_wait3A_104, %dma_wait3A_105] : memref<640x256xf32, #tpu.memory_space<hbm>> -> memref<640x256xf32, #tpu.memory_space<hbm>>
    tpu.wait_indirect_dma semaphore(%arg12 : memref<!tpu.dma_semaphore, #tpu.memory_space<semaphore_mem>>) src(%dma_wait3A_106 : memref<640x256xf32, #tpu.memory_space<hbm>>) dst(%arg9 : memref<128x256xf32, #tpu.memory_space<vmem>>)
    %mul3A_107 = arith.constant 1024 : i32
    %mul3A_108 = arith.muli %select_n3A, %mul3A_107 : i32
    %mul3A_109 = arith.constant 512 : i32
    %mul3A_110 = arith.muli %select_n3A_70, %mul3A_109 : i32
    %add3A_111 = arith.addi %mul3A_108, %mul3A_110 : i32
    %add3A_112 = arith.constant 128 : i32
    %add3A_113 = arith.addi %add3A_111, %add3A_112 : i32
    %mul3A_114 = arith.constant 256 : i32
    %mul3A_115 = arith.muli %select_n3A_54, %mul3A_114 : i32
    %dma_start3A_116 = tpu.memref_slice %arg4[%add3A_113, %mul3A_115] : memref<8192x512xf32, #tpu.memory_space<hbm>> -> memref<128x256xf32, #tpu.memory_space<hbm>>
    %dma_start3A_117 = tpu.memref_slice %arg4[%add3A_113, %mul3A_115] : memref<8192x512xf32, #tpu.memory_space<hbm>> -> memref<128x256xf32, #tpu.memory_space<hbm>>
    tpu.enqueue_dma source(%arg9 : memref<128x256xf32, #tpu.memory_space<vmem>>) target(%dma_start3A_117 : memref<128x256xf32, #tpu.memory_space<hbm>>) target_semaphore(%arg15 : memref<!tpu.dma_semaphore, #tpu.memory_space<semaphore_mem>>)
    %dma_wait3A_118 = tpu.memref_slice %arg4[%add3A_92, %mul3A_94] : memref<8192x512xf32, #tpu.memory_space<hbm>> -> memref<128x256xf32, #tpu.memory_space<hbm>>
    %dma_wait3A_119 = tpu.memref_slice %arg4[%add3A_92, %mul3A_94] : memref<8192x512xf32, #tpu.memory_space<hbm>> -> memref<128x256xf32, #tpu.memory_space<hbm>>
    tpu.wait_dma2 semaphore(%arg14 : memref<!tpu.dma_semaphore, #tpu.memory_space<semaphore_mem>>) src(%arg8 : memref<128x256xf32, #tpu.memory_space<vmem>>) dst(%dma_wait3A_119 : memref<128x256xf32, #tpu.memory_space<hbm>>)
    %mul3A_120 = arith.constant 512 : i32
    %mul3A_121 = arith.muli %select_n3A_70, %mul3A_120 : i32
    %add3A_122 = arith.constant 384 : i32
    %add3A_123 = arith.addi %mul3A_121, %add3A_122 : i32
    "tpu.region"() ({
      %run_scoped3A = tpu.sem_alloc : memref<!tpu.dma_semaphore, #tpu.memory_space<semaphore_mem>>
      %dma_start3A_161 = tpu.memref_slice %arg3[%select_n3A, %select_n3A_54, %add3A_123] : memref<8x8x1024xi32, #tpu.memory_space<hbm>> -> memref<1x1x128xi32, #tpu.memory_space<hbm>>
      %dma_start3A_162 = tpu.memref_squeeze %dma_start3A_161 : memref<1x1x128xi32, #tpu.memory_space<hbm>> -> memref<128xi32, #tpu.memory_space<hbm>>
      %dma_start3A_163 = tpu.memref_slice %arg3[%select_n3A, %select_n3A_54, %add3A_123] : memref<8x8x1024xi32, #tpu.memory_space<hbm>> -> memref<1x1x128xi32, #tpu.memory_space<hbm>>
      %dma_start3A_164 = tpu.memref_squeeze %dma_start3A_163 : memref<1x1x128xi32, #tpu.memory_space<hbm>> -> memref<128xi32, #tpu.memory_space<hbm>>
      tpu.enqueue_dma source(%dma_start3A_164 : memref<128xi32, #tpu.memory_space<hbm>>) target(%arg5 : memref<128xi32, #tpu.memory_space<vmem>>) target_semaphore(%run_scoped3A : memref<!tpu.dma_semaphore, #tpu.memory_space<semaphore_mem>>)
      %dma_wait3A_165 = tpu.memref_slice %arg3[%select_n3A, %select_n3A_54, %add3A_123] : memref<8x8x1024xi32, #tpu.memory_space<hbm>> -> memref<1x1x128xi32, #tpu.memory_space<hbm>>
      %dma_wait3A_166 = tpu.memref_squeeze %dma_wait3A_165 : memref<1x1x128xi32, #tpu.memory_space<hbm>> -> memref<128xi32, #tpu.memory_space<hbm>>
      %dma_wait3A_167 = tpu.memref_slice %arg3[%select_n3A, %select_n3A_54, %add3A_123] : memref<8x8x1024xi32, #tpu.memory_space<hbm>> -> memref<1x1x128xi32, #tpu.memory_space<hbm>>
      %dma_wait3A_168 = tpu.memref_squeeze %dma_wait3A_167 : memref<1x1x128xi32, #tpu.memory_space<hbm>> -> memref<128xi32, #tpu.memory_space<hbm>>
      tpu.wait_dma2 semaphore(%run_scoped3A : memref<!tpu.dma_semaphore, #tpu.memory_space<semaphore_mem>>) src(%dma_wait3A_168 : memref<128xi32, #tpu.memory_space<hbm>>) dst(%arg5 : memref<128xi32, #tpu.memory_space<vmem>>)
      tpu.yield
    }) : () -> ()
    %dma_start3A_124 = arith.constant 0 : i32
    %dma_start3A_125 = arith.constant 0 : i32
    %dma_start3A_126 = tpu.memref_slice %arg2[%dma_start3A_124, %dma_start3A_125] : memref<640x256xf32, #tpu.memory_space<hbm>> -> memref<640x256xf32, #tpu.memory_space<hbm>>
    tpu.enqueue_indirect_dma source(%dma_start3A_126 : memref<640x256xf32, #tpu.memory_space<hbm>>) target(%arg8 : memref<128x256xf32, #tpu.memory_space<vmem>>) offsets(%arg5 : memref<128xi32, #tpu.memory_space<vmem>>) semaphore(%arg11 : memref<!tpu.dma_semaphore, #tpu.memory_space<semaphore_mem>>)
    %dma_wait3A_127 = arith.constant 0 : i32
    %dma_wait3A_128 = arith.constant 0 : i32
    %dma_wait3A_129 = tpu.memref_slice %arg2[%dma_wait3A_127, %dma_wait3A_128] : memref<640x256xf32, #tpu.memory_space<hbm>> -> memref<640x256xf32, #tpu.memory_space<hbm>>
    tpu.wait_indirect_dma semaphore(%arg13 : memref<!tpu.dma_semaphore, #tpu.memory_space<semaphore_mem>>) src(%dma_wait3A_129 : memref<640x256xf32, #tpu.memory_space<hbm>>) dst(%arg10 : memref<128x256xf32, #tpu.memory_space<vmem>>)
    %mul3A_130 = arith.constant 1024 : i32
    %mul3A_131 = arith.muli %select_n3A, %mul3A_130 : i32
    %mul3A_132 = arith.constant 512 : i32
    %mul3A_133 = arith.muli %select_n3A_70, %mul3A_132 : i32
    %add3A_134 = arith.addi %mul3A_131, %mul3A_133 : i32
    %add3A_135 = arith.constant 256 : i32
    %add3A_136 = arith.addi %add3A_134, %add3A_135 : i32
    %mul3A_137 = arith.constant 256 : i32
    %mul3A_138 = arith.muli %select_n3A_54, %mul3A_137 : i32
    %dma_start3A_139 = tpu.memref_slice %arg4[%add3A_136, %mul3A_138] : memref<8192x512xf32, #tpu.memory_space<hbm>> -> memref<128x256xf32, #tpu.memory_space<hbm>>
    %dma_start3A_140 = tpu.memref_slice %arg4[%add3A_136, %mul3A_138] : memref<8192x512xf32, #tpu.memory_space<hbm>> -> memref<128x256xf32, #tpu.memory_space<hbm>>
    tpu.enqueue_dma source(%arg10 : memref<128x256xf32, #tpu.memory_space<vmem>>) target(%dma_start3A_140 : memref<128x256xf32, #tpu.memory_space<hbm>>) target_semaphore(%arg16 : memref<!tpu.dma_semaphore, #tpu.memory_space<semaphore_mem>>)
    %dma_wait3A_141 = arith.constant 0 : i32
    %dma_wait3A_142 = arith.constant 0 : i32
    %dma_wait3A_143 = tpu.memref_slice %arg2[%dma_wait3A_141, %dma_wait3A_142] : memref<640x256xf32, #tpu.memory_space<hbm>> -> memref<640x256xf32, #tpu.memory_space<hbm>>
    tpu.wait_indirect_dma semaphore(%arg11 : memref<!tpu.dma_semaphore, #tpu.memory_space<semaphore_mem>>) src(%dma_wait3A_143 : memref<640x256xf32, #tpu.memory_space<hbm>>) dst(%arg8 : memref<128x256xf32, #tpu.memory_space<vmem>>)
    %mul3A_144 = arith.constant 1024 : i32
    %mul3A_145 = arith.muli %select_n3A, %mul3A_144 : i32
    %mul3A_146 = arith.constant 512 : i32
    %mul3A_147 = arith.muli %select_n3A_70, %mul3A_146 : i32
    %add3A_148 = arith.addi %mul3A_145, %mul3A_147 : i32
    %add3A_149 = arith.constant 384 : i32
    %add3A_150 = arith.addi %add3A_148, %add3A_149 : i32
    %mul3A_151 = arith.constant 256 : i32
    %mul3A_152 = arith.muli %select_n3A_54, %mul3A_151 : i32
    %dma_start3A_153 = tpu.memref_slice %arg4[%add3A_150, %mul3A_152] : memref<8192x512xf32, #tpu.memory_space<hbm>> -> memref<128x256xf32, #tpu.memory_space<hbm>>
    %dma_start3A_154 = tpu.memref_slice %arg4[%add3A_150, %mul3A_152] : memref<8192x512xf32, #tpu.memory_space<hbm>> -> memref<128x256xf32, #tpu.memory_space<hbm>>
    tpu.enqueue_dma source(%arg8 : memref<128x256xf32, #tpu.memory_space<vmem>>) target(%dma_start3A_154 : memref<128x256xf32, #tpu.memory_space<hbm>>) target_semaphore(%arg14 : memref<!tpu.dma_semaphore, #tpu.memory_space<semaphore_mem>>)
    %dma_wait3A_155 = tpu.memref_slice %arg4[%add3A_113, %mul3A_115] : memref<8192x512xf32, #tpu.memory_space<hbm>> -> memref<128x256xf32, #tpu.memory_space<hbm>>
    %dma_wait3A_156 = tpu.memref_slice %arg4[%add3A_113, %mul3A_115] : memref<8192x512xf32, #tpu.memory_space<hbm>> -> memref<128x256xf32, #tpu.memory_space<hbm>>
    tpu.wait_dma2 semaphore(%arg15 : memref<!tpu.dma_semaphore, #tpu.memory_space<semaphore_mem>>) src(%arg9 : memref<128x256xf32, #tpu.memory_space<vmem>>) dst(%dma_wait3A_156 : memref<128x256xf32, #tpu.memory_space<hbm>>)
    %dma_wait3A_157 = tpu.memref_slice %arg4[%add3A_136, %mul3A_138] : memref<8192x512xf32, #tpu.memory_space<hbm>> -> memref<128x256xf32, #tpu.memory_space<hbm>>
    %dma_wait3A_158 = tpu.memref_slice %arg4[%add3A_136, %mul3A_138] : memref<8192x512xf32, #tpu.memory_space<hbm>> -> memref<128x256xf32, #tpu.memory_space<hbm>>
    tpu.wait_dma2 semaphore(%arg16 : memref<!tpu.dma_semaphore, #tpu.memory_space<semaphore_mem>>) src(%arg10 : memref<128x256xf32, #tpu.memory_space<vmem>>) dst(%dma_wait3A_158 : memref<128x256xf32, #tpu.memory_space<hbm>>)
    %dma_wait3A_159 = tpu.memref_slice %arg4[%add3A_150, %mul3A_152] : memref<8192x512xf32, #tpu.memory_space<hbm>> -> memref<128x256xf32, #tpu.memory_space<hbm>>
    %dma_wait3A_160 = tpu.memref_slice %arg4[%add3A_150, %mul3A_152] : memref<8192x512xf32, #tpu.memory_space<hbm>> -> memref<128x256xf32, #tpu.memory_space<hbm>>
    tpu.wait_dma2 semaphore(%arg14 : memref<!tpu.dma_semaphore, #tpu.memory_space<semaphore_mem>>) src(%arg8 : memref<128x256xf32, #tpu.memory_space<vmem>>) dst(%dma_wait3A_160 : memref<128x256xf32, #tpu.memory_space<hbm>>)
    return
  }
}

module attributes {stable_mosaic.version = 14 : i64} {
  func.func @_tc_body(%arg0: i32, %arg1: memref<4xi32, #tpu.memory_space<smem>>, %arg2: memref<1024x1024xf32, #tpu.memory_space<vmem>>, %arg3: memref<1024x640xf32, #tpu.memory_space<vmem>>, %arg4: memref<1x640xf32, #tpu.memory_space<vmem>>, %arg5: memref<1x1x320x1024xf32, #tpu.memory_space<vmem>>, %arg6: memref<1x1x320x1024xf32, #tpu.memory_space<vmem>>, %arg7: memref<1x8x1024xi32, #tpu.memory_space<vmem>>, %arg8: memref<640x1xf32, #tpu.memory_space<vmem>>) attributes {dimension_semantics = [#tpu.dimension_semantics<arbitrary>], iteration_bounds = array<i64: 8>, scalar_prefetch = 0 : i64, scratch_operands = 0 : i64, tpu.core_type = #tpu.core_type<tc>, window_params = [{transform_indices = @transform_0, window_bounds = array<i64: 4>}, {transform_indices = @transform_1, window_bounds = array<i64: 1024, 1024>}, {pipeline_mode = #tpu.pipeline_mode<synchronous>, transform_indices = @transform_2, window_bounds = array<i64: 1024, 640>}, {pipeline_mode = #tpu.pipeline_mode<synchronous>, transform_indices = @transform_3, window_bounds = array<i64: 1, 640>}, {transform_indices = @transform_4, window_bounds = array<i64: 1, 1, 320, 1024>}, {transform_indices = @transform_5, window_bounds = array<i64: 1, 1, 320, 1024>}, {transform_indices = @transform_6, window_bounds = array<i64: 1, 8, 1024>}, {pipeline_mode = #tpu.pipeline_mode<synchronous>, transform_indices = @transform_7, window_bounds = array<i64: 640, 1>}]} {
    %get3A = arith.constant 0 : index
    %get3A_0 = arith.constant 0 : index
    %get3A_1 = vector.load %arg3[%get3A, %get3A_0] : memref<1024x640xf32, #tpu.memory_space<vmem>>, vector<1024x640xf32>
    %get3A_2 = arith.constant 0 : index
    %get3A_3 = arith.constant 0 : index
    %get3A_4 = vector.load %arg2[%get3A_2, %get3A_3] : memref<1024x1024xf32, #tpu.memory_space<vmem>>, vector<1024x1024xf32>
    %dot_general3A = arith.constant dense<0.000000e+00> : vector<640x1024xf32>
    %dot_general3A_5 = tpu.matmul %get3A_1, %get3A_4, %dot_general3A {dimension_numbers = #tpu.dot_dimension_numbers<[0], [1], [1], [0], [0, 1, 1, 0], [], []>, transpose_lhs_hint = false} : vector<1024x640xf32>, vector<1024x1024xf32>, vector<640x1024xf32> -> vector<640x1024xf32>
    %get3A_6 = arith.constant 0 : index
    %get3A_7 = arith.constant 0 : index
    %get3A_8 = vector.load %arg4[%get3A_6, %get3A_7] : memref<1x640xf32, #tpu.memory_space<vmem>>, vector<1x640xf32>
    %transpose3A = tpu.transpose %get3A_8, [1, 0] : vector<1x640xf32> -> vector<640x1xf32>
    %add3A = vector.broadcast %transpose3A : vector<640x1xf32> to vector<640x1024xf32>
    %add3A_9 = arith.addf %dot_general3A_5, %add3A : vector<640x1024xf32>
    %iota3A = tpu.iota {dimensions = array<i32: 0>} : vector<320x1024xi32>
    %slice3A = vector.extract_strided_slice %add3A_9 {offsets = [0, 0], sizes = [320, 1024], strides = [1, 1]} : vector<640x1024xf32> to vector<320x1024xf32>
    %get3A_10 = arith.constant 0 : index
    %get3A_11 = arith.constant 0 : index
    %get3A_12 = arith.constant 0 : index
    %get3A_13 = arith.constant 0 : index
    %get3A_14 = vector.load %arg5[%get3A_10, %get3A_11, %get3A_12, %get3A_13] : memref<1x1x320x1024xf32, #tpu.memory_space<vmem>>, vector<1x1x320x1024xf32>
    %get3A_15 = vector.shape_cast %get3A_14 : vector<1x1x320x1024xf32> to vector<320x1024xf32>
    %add3A_16 = arith.addf %slice3A, %get3A_15 : vector<320x1024xf32>
    %reduce_max3A = arith.constant dense<0xFF800000> : vector<1024xf32>
    %reduce_max3A_17 = vector.multi_reduction <maximumf>, %add3A_16, %reduce_max3A [0] : vector<320x1024xf32> to vector<1024xf32>
    %broadcast_in_dim3A = vector.shape_cast %reduce_max3A_17 : vector<1024xf32> to vector<1x1024xf32>
    %eq3A = vector.broadcast %broadcast_in_dim3A : vector<1x1024xf32> to vector<320x1024xf32>
    %eq3A_18 = arith.cmpf oeq, %add3A_16, %eq3A : vector<320x1024xf32>
    %jit3A = arith.constant 320 : i32
    %broadcast_in_dim3A_19 = vector.broadcast %jit3A : i32 to vector<320x1024xi32>
    %select_n3A = arith.select %eq3A_18, %iota3A, %broadcast_in_dim3A_19 : vector<320x1024xi1>, vector<320x1024xi32>
    %reduce_min3A = arith.constant dense<2147483647> : vector<1024xi32>
    %reduce_min3A_20 = vector.multi_reduction <minsi>, %select_n3A, %reduce_min3A [0] : vector<320x1024xi32> to vector<1024xi32>
    %slice3A_21 = vector.extract_strided_slice %add3A_9 {offsets = [320, 0], sizes = [320, 1024], strides = [1, 1]} : vector<640x1024xf32> to vector<320x1024xf32>
    %get3A_22 = arith.constant 0 : index
    %get3A_23 = arith.constant 0 : index
    %get3A_24 = arith.constant 0 : index
    %get3A_25 = arith.constant 0 : index
    %get3A_26 = vector.load %arg6[%get3A_22, %get3A_23, %get3A_24, %get3A_25] : memref<1x1x320x1024xf32, #tpu.memory_space<vmem>>, vector<1x1x320x1024xf32>
    %get3A_27 = vector.shape_cast %get3A_26 : vector<1x1x320x1024xf32> to vector<320x1024xf32>
    %add3A_28 = arith.addf %slice3A_21, %get3A_27 : vector<320x1024xf32>
    %reduce_max3A_29 = arith.constant dense<0xFF800000> : vector<1024xf32>
    %reduce_max3A_30 = vector.multi_reduction <maximumf>, %add3A_28, %reduce_max3A_29 [0] : vector<320x1024xf32> to vector<1024xf32>
    %broadcast_in_dim3A_31 = vector.shape_cast %reduce_max3A_30 : vector<1024xf32> to vector<1x1024xf32>
    %eq3A_32 = vector.broadcast %broadcast_in_dim3A_31 : vector<1x1024xf32> to vector<320x1024xf32>
    %eq3A_33 = arith.cmpf oeq, %add3A_28, %eq3A_32 : vector<320x1024xf32>
    %jit3A_34 = arith.constant 320 : i32
    %broadcast_in_dim3A_35 = vector.broadcast %jit3A_34 : i32 to vector<320x1024xi32>
    %select_n3A_36 = arith.select %eq3A_33, %iota3A, %broadcast_in_dim3A_35 : vector<320x1024xi1>, vector<320x1024xi32>
    %reduce_min3A_37 = arith.constant dense<2147483647> : vector<1024xi32>
    %reduce_min3A_38 = vector.multi_reduction <minsi>, %select_n3A_36, %reduce_min3A_37 [0] : vector<320x1024xi32> to vector<1024xi32>
    %broadcast_in_dim3A_39 = vector.shape_cast %reduce_min3A_20 : vector<1024xi32> to vector<1x1024xi32>
    %broadcast_in_dim3A_40 = vector.shape_cast %reduce_min3A_38 : vector<1024xi32> to vector<1x1024xi32>
    %add3A_41 = arith.constant 320 : i32
    %add3A_42 = vector.broadcast %add3A_41 : i32 to vector<1x1024xi32>
    %add3A_43 = arith.addi %broadcast_in_dim3A_40, %add3A_42 : vector<1x1024xi32>
    %broadcast_in_dim3A_44 = arith.constant 0 : i32
    %broadcast_in_dim3A_45 = vector.broadcast %broadcast_in_dim3A_44 : i32 to vector<6x1024xi32>
    %concatenate3A = tpu.concatenate %broadcast_in_dim3A_39, %add3A_43, %broadcast_in_dim3A_45 in 0 : vector<1x1024xi32>, vector<1x1024xi32>, vector<6x1024xi32> -> vector<8x1024xi32>
    %broadcast_in_dim3A_46 = vector.shape_cast %concatenate3A : vector<8x1024xi32> to vector<1x8x1024xi32>
    %swap3A = arith.constant 0 : index
    %swap3A_47 = arith.constant 0 : index
    %swap3A_48 = arith.constant 0 : index
    %swap3A_49 = vector.load %arg7[%swap3A, %swap3A_47, %swap3A_48] : memref<1x8x1024xi32, #tpu.memory_space<vmem>>, vector<1x8x1024xi32>
    tpu.vector_store %arg7[%swap3A, %swap3A_47, %swap3A_48], %broadcast_in_dim3A_46 {strides = array<i32>} : memref<1x8x1024xi32, #tpu.memory_space<vmem>>, vector<1x8x1024xi32>,
    %iota3A_50 = tpu.iota {dimensions = array<i32: 1>} : vector<1x1024xi32>
    %jit3A_51 = arith.constant 2 : i32
    %eq3A_52 = arith.constant 0 : i32
    %eq3A_53 = arith.cmpi eq, %jit3A_51, %eq3A_52 : i32
    %jit3A_54 = arith.constant 1 : i32
    %select_n3A_55 = arith.select %eq3A_53, %jit3A_54, %jit3A_51 : i32
    %rem3A = arith.remsi %arg0, %select_n3A_55 : i32
    %ne3A = arith.constant 0 : i32
    %ne3A_56 = arith.cmpi ne, %rem3A, %ne3A : i32
    %lt3A = arith.constant 0 : i32
    %lt3A_57 = arith.cmpi slt, %rem3A, %lt3A : i32
    %lt3A_58 = arith.constant 0 : i32
    %lt3A_59 = arith.cmpi slt, %select_n3A_55, %lt3A_58 : i32
    %ne3A_60 = arith.xori %lt3A_57, %lt3A_59 : i1
    %and3A = arith.andi %ne3A_60, %ne3A_56 : i1
    %add3A_61 = arith.addi %rem3A, %select_n3A_55 : i32
    %select_n3A_62 = arith.select %and3A, %add3A_61, %rem3A : i32
    %mul3A = arith.constant 1024 : i32
    %mul3A_63 = arith.muli %select_n3A_62, %mul3A : i32
    %add3A_64 = vector.broadcast %mul3A_63 : i32 to vector<1x1024xi32>
    %add3A_65 = arith.addi %iota3A_50, %add3A_64 : vector<1x1024xi32>
    %jit3A_66 = arith.constant 2 : i32
    %div3A = arith.divsi %arg0, %jit3A_66 : i32
    %sign3A = arith.constant 0 : i32
    %sign3A_67 = arith.cmpi sgt, %arg0, %sign3A : i32
    %sign3A_68 = arith.extui %sign3A_67 : i1 to i32
    %sign3A_69 = arith.constant 0 : i32
    %sign3A_70 = arith.cmpi slt, %arg0, %sign3A_69 : i32
    %sign3A_71 = arith.extui %sign3A_70 : i1 to i32
    %sign3A_72 = arith.subi %sign3A_68, %sign3A_71 : i32
    %sign3A_73 = arith.constant 0 : i32
    %sign3A_74 = arith.cmpi sgt, %jit3A_66, %sign3A_73 : i32
    %sign3A_75 = arith.extui %sign3A_74 : i1 to i32
    %sign3A_76 = arith.constant 0 : i32
    %sign3A_77 = arith.cmpi slt, %jit3A_66, %sign3A_76 : i32
    %sign3A_78 = arith.extui %sign3A_77 : i1 to i32
    %sign3A_79 = arith.subi %sign3A_75, %sign3A_78 : i32
    %ne3A_80 = arith.cmpi ne, %sign3A_72, %sign3A_79 : i32
    %rem3A_81 = arith.remsi %arg0, %jit3A_66 : i32
    %ne3A_82 = arith.constant 0 : i32
    %ne3A_83 = arith.cmpi ne, %rem3A_81, %ne3A_82 : i32
    %and3A_84 = arith.andi %ne3A_80, %ne3A_83 : i1
    %sub3A = arith.constant 1 : i32
    %sub3A_85 = arith.subi %div3A, %sub3A : i32
    %select_n3A_86 = arith.select %and3A_84, %sub3A_85, %div3A : i32
    %get3A_87 = arith.index_cast %select_n3A_86 : i32 to index
    %get3A_88 = memref.load %arg1[%get3A_87] : memref<4xi32, #tpu.memory_space<smem>>
    %lt3A_89 = vector.broadcast %get3A_88 : i32 to vector<1x1024xi32>
    %lt3A_90 = arith.cmpi slt, %add3A_65, %lt3A_89 : vector<1x1024xi32>
    %convert_element_type3A = arith.extui %lt3A_90 : vector<1x1024xi1> to vector<1x1024xi32>
    %convert_element_type3A_91 = arith.sitofp %convert_element_type3A : vector<1x1024xi32> to vector<1x1024xf32>
    %slice3A_92 = vector.extract_strided_slice %add3A_9 {offsets = [0, 0], sizes = [320, 1024], strides = [1, 1]} : vector<640x1024xf32> to vector<320x1024xf32>
    %exp3A = math.exp %slice3A_92 : vector<320x1024xf32>
    %reduce_sum3A = arith.constant dense<0.000000e+00> : vector<1024xf32>
    %reduce_sum3A_93 = vector.multi_reduction <add>, %exp3A, %reduce_sum3A [0] : vector<320x1024xf32> to vector<1024xf32>
    %broadcast_in_dim3A_94 = vector.shape_cast %reduce_sum3A_93 : vector<1024xf32> to vector<1x1024xf32>
    %div3A_95 = arith.divf %convert_element_type3A_91, %broadcast_in_dim3A_94 : vector<1x1024xf32>
    %mul3A_96 = vector.broadcast %div3A_95 : vector<1x1024xf32> to vector<320x1024xf32>
    %mul3A_97 = arith.mulf %exp3A, %mul3A_96 : vector<320x1024xf32>
    %reduce_sum3A_98 = arith.constant dense<0.000000e+00> : vector<320xf32>
    %reduce_sum3A_99 = vector.multi_reduction <add>, %mul3A_97, %reduce_sum3A_98 [1] : vector<320x1024xf32> to vector<320xf32>
    %broadcast_in_dim3A_100 = vector.shape_cast %reduce_sum3A_99 : vector<320xf32> to vector<320x1xf32>
    %slice3A_101 = vector.extract_strided_slice %add3A_9 {offsets = [320, 0], sizes = [320, 1024], strides = [1, 1]} : vector<640x1024xf32> to vector<320x1024xf32>
    %exp3A_102 = math.exp %slice3A_101 : vector<320x1024xf32>
    %reduce_sum3A_103 = arith.constant dense<0.000000e+00> : vector<1024xf32>
    %reduce_sum3A_104 = vector.multi_reduction <add>, %exp3A_102, %reduce_sum3A_103 [0] : vector<320x1024xf32> to vector<1024xf32>
    %broadcast_in_dim3A_105 = vector.shape_cast %reduce_sum3A_104 : vector<1024xf32> to vector<1x1024xf32>
    %div3A_106 = arith.divf %convert_element_type3A_91, %broadcast_in_dim3A_105 : vector<1x1024xf32>
    %mul3A_107 = vector.broadcast %div3A_106 : vector<1x1024xf32> to vector<320x1024xf32>
    %mul3A_108 = arith.mulf %exp3A_102, %mul3A_107 : vector<320x1024xf32>
    %reduce_sum3A_109 = arith.constant dense<0.000000e+00> : vector<320xf32>
    %reduce_sum3A_110 = vector.multi_reduction <add>, %mul3A_108, %reduce_sum3A_109 [1] : vector<320x1024xf32> to vector<320xf32>
    %broadcast_in_dim3A_111 = vector.shape_cast %reduce_sum3A_110 : vector<320xf32> to vector<320x1xf32>
    %concatenate3A_112 = tpu.concatenate %broadcast_in_dim3A_100, %broadcast_in_dim3A_111 in 0 : vector<320x1xf32>, vector<320x1xf32> -> vector<640x1xf32>
    %eq3A_113 = arith.constant 0 : i32
    %eq3A_114 = arith.cmpi eq, %arg0, %eq3A_113 : i32
    %convert_element_type3A_115 = arith.extui %eq3A_114 : i1 to i32
    %cond3A = arith.constant 0 : i32
    %cond3A_116 = arith.cmpi ne, %convert_element_type3A_115, %cond3A : i32
    scf.if %cond3A_116 {
      %broadcast_in_dim3A_129 = arith.constant 0.000000e+00 : f32
      %broadcast_in_dim3A_130 = vector.broadcast %broadcast_in_dim3A_129 : f32 to vector<640x1xf32>
      %swap3A_131 = arith.constant 0 : index
      %swap3A_132 = arith.constant 0 : index
      %swap3A_133 = vector.load %arg8[%swap3A_131, %swap3A_132] : memref<640x1xf32, #tpu.memory_space<vmem>>, vector<640x1xf32>
      tpu.vector_store %arg8[%swap3A_131, %swap3A_132], %broadcast_in_dim3A_130 {strides = array<i32>} : memref<640x1xf32, #tpu.memory_space<vmem>>, vector<640x1xf32>,
    } else {
    }
    %get3A_117 = arith.constant 0 : index
    %get3A_118 = arith.constant 0 : index
    %get3A_119 = vector.load %arg8[%get3A_117, %get3A_118] : memref<640x1xf32, #tpu.memory_space<vmem>>, vector<640x1xf32>
    %add3A_120 = arith.addf %get3A_119, %concatenate3A_112 : vector<640x1xf32>
    %swap3A_121 = arith.constant 0 : index
    %swap3A_122 = arith.constant 0 : index
    %swap3A_123 = vector.load %arg8[%swap3A_121, %swap3A_122] : memref<640x1xf32, #tpu.memory_space<vmem>>, vector<640x1xf32>
    tpu.vector_store %arg8[%swap3A_121, %swap3A_122], %add3A_120 {strides = array<i32>} : memref<640x1xf32, #tpu.memory_space<vmem>>, vector<640x1xf32>,
    %eq3A_124 = arith.constant 7 : i32
    %eq3A_125 = arith.cmpi eq, %arg0, %eq3A_124 : i32
    %convert_element_type3A_126 = arith.extui %eq3A_125 : i1 to i32
    %cond3A_127 = arith.constant 0 : i32
    %cond3A_128 = arith.cmpi ne, %convert_element_type3A_126, %cond3A_127 : i32
    scf.if %cond3A_128 {
      %get3A_129 = arith.constant 0 : index
      %get3A_130 = memref.load %arg1[%get3A_129] : memref<4xi32, #tpu.memory_space<smem>>
      %get3A_131 = arith.constant 1 : index
      %get3A_132 = memref.load %arg1[%get3A_131] : memref<4xi32, #tpu.memory_space<smem>>
      %add3A_133 = arith.addi %get3A_130, %get3A_132 : i32
      %get3A_134 = arith.constant 2 : index
      %get3A_135 = memref.load %arg1[%get3A_134] : memref<4xi32, #tpu.memory_space<smem>>
      %add3A_136 = arith.addi %add3A_133, %get3A_135 : i32
      %get3A_137 = arith.constant 3 : index
      %get3A_138 = memref.load %arg1[%get3A_137] : memref<4xi32, #tpu.memory_space<smem>>
      %add3A_139 = arith.addi %add3A_136, %get3A_138 : i32
      %convert_element_type3A_140 = arith.sitofp %add3A_139 : i32 to f32
      %get3A_141 = arith.constant 0 : index
      %get3A_142 = arith.constant 0 : index
      %get3A_143 = vector.load %arg8[%get3A_141, %get3A_142] : memref<640x1xf32, #tpu.memory_space<vmem>>, vector<640x1xf32>
      %div3A_144 = vector.broadcast %convert_element_type3A_140 : f32 to vector<640x1xf32>
      %div3A_145 = arith.divf %get3A_143, %div3A_144 : vector<640x1xf32>
      %swap3A_146 = arith.constant 0 : index
      %swap3A_147 = arith.constant 0 : index
      %swap3A_148 = vector.load %arg8[%swap3A_146, %swap3A_147] : memref<640x1xf32, #tpu.memory_space<vmem>>, vector<640x1xf32>
      tpu.vector_store %arg8[%swap3A_146, %swap3A_147], %div3A_145 {strides = array<i32>} : memref<640x1xf32, #tpu.memory_space<vmem>>, vector<640x1xf32>,
    } else {
    }
    return
  }
  func.func @transform_0(%arg0: i32) -> i32 {
    %c0_i32 = arith.constant 0 : i32
    %c0_i32_0 = arith.constant 0 : i32
    return %c0_i32 : i32
  }
  func.func @transform_1(%arg0: i32) -> (i32, i32) {
    %c0_i32 = arith.constant 0 : i32
    %c0_i32_0 = arith.constant 0 : i32
    return %arg0, %c0_i32 : i32, i32
  }
  func.func @transform_2(%arg0: i32) -> (i32, i32) {
    %c0_i32 = arith.constant 0 : i32
    %c0_i32_0 = arith.constant 0 : i32
    %c0_i32_1 = arith.constant 0 : i32
    return %c0_i32, %c0_i32_0 : i32, i32
  }
  func.func @transform_3(%arg0: i32) -> (i32, i32) {
    %c0_i32 = arith.constant 0 : i32
    %c0_i32_0 = arith.constant 0 : i32
    %c0_i32_1 = arith.constant 0 : i32
    return %c0_i32, %c0_i32_0 : i32, i32
  }
  func.func @transform_4(%arg0: i32) -> (i32, i32, i32, i32) {
    %jit3A = arith.constant 2 : i32
    %div3A = arith.divsi %arg0, %jit3A : i32
    %sign3A = arith.constant 0 : i32
    %sign3A_0 = arith.cmpi sgt, %arg0, %sign3A : i32
    %sign3A_1 = arith.extui %sign3A_0 : i1 to i32
    %sign3A_2 = arith.constant 0 : i32
    %sign3A_3 = arith.cmpi slt, %arg0, %sign3A_2 : i32
    %sign3A_4 = arith.extui %sign3A_3 : i1 to i32
    %sign3A_5 = arith.subi %sign3A_1, %sign3A_4 : i32
    %sign3A_6 = arith.constant 0 : i32
    %sign3A_7 = arith.cmpi sgt, %jit3A, %sign3A_6 : i32
    %sign3A_8 = arith.extui %sign3A_7 : i1 to i32
    %sign3A_9 = arith.constant 0 : i32
    %sign3A_10 = arith.cmpi slt, %jit3A, %sign3A_9 : i32
    %sign3A_11 = arith.extui %sign3A_10 : i1 to i32
    %sign3A_12 = arith.subi %sign3A_8, %sign3A_11 : i32
    %ne3A = arith.cmpi ne, %sign3A_5, %sign3A_12 : i32
    %rem3A = arith.remsi %arg0, %jit3A : i32
    %ne3A_13 = arith.constant 0 : i32
    %ne3A_14 = arith.cmpi ne, %rem3A, %ne3A_13 : i32
    %and3A = arith.andi %ne3A, %ne3A_14 : i1
    %sub3A = arith.constant 1 : i32
    %sub3A_15 = arith.subi %div3A, %sub3A : i32
    %select_n3A = arith.select %and3A, %sub3A_15, %div3A : i32
    %jit3A_16 = arith.constant 2 : i32
    %eq3A = arith.constant 0 : i32
    %eq3A_17 = arith.cmpi eq, %jit3A_16, %eq3A : i32
    %jit3A_18 = arith.constant 1 : i32
    %select_n3A_19 = arith.select %eq3A_17, %jit3A_18, %jit3A_16 : i32
    %rem3A_20 = arith.remsi %arg0, %select_n3A_19 : i32
    %ne3A_21 = arith.constant 0 : i32
    %ne3A_22 = arith.cmpi ne, %rem3A_20, %ne3A_21 : i32
    %lt3A = arith.constant 0 : i32
    %lt3A_23 = arith.cmpi slt, %rem3A_20, %lt3A : i32
    %lt3A_24 = arith.constant 0 : i32
    %lt3A_25 = arith.cmpi slt, %select_n3A_19, %lt3A_24 : i32
    %ne3A_26 = arith.xori %lt3A_23, %lt3A_25 : i1
    %and3A_27 = arith.andi %ne3A_26, %ne3A_22 : i1
    %add3A = arith.addi %rem3A_20, %select_n3A_19 : i32
    %select_n3A_28 = arith.select %and3A_27, %add3A, %rem3A_20 : i32
    %c0_i32 = arith.constant 0 : i32
    %c0_i32_29 = arith.constant 0 : i32
    %c0_i32_30 = arith.constant 0 : i32
    return %select_n3A, %c0_i32, %c0_i32_29, %select_n3A_28 : i32, i32, i32, i32
  }
  func.func @transform_5(%arg0: i32) -> (i32, i32, i32, i32) {
    %jit3A = arith.constant 2 : i32
    %div3A = arith.divsi %arg0, %jit3A : i32
    %sign3A = arith.constant 0 : i32
    %sign3A_0 = arith.cmpi sgt, %arg0, %sign3A : i32
    %sign3A_1 = arith.extui %sign3A_0 : i1 to i32
    %sign3A_2 = arith.constant 0 : i32
    %sign3A_3 = arith.cmpi slt, %arg0, %sign3A_2 : i32
    %sign3A_4 = arith.extui %sign3A_3 : i1 to i32
    %sign3A_5 = arith.subi %sign3A_1, %sign3A_4 : i32
    %sign3A_6 = arith.constant 0 : i32
    %sign3A_7 = arith.cmpi sgt, %jit3A, %sign3A_6 : i32
    %sign3A_8 = arith.extui %sign3A_7 : i1 to i32
    %sign3A_9 = arith.constant 0 : i32
    %sign3A_10 = arith.cmpi slt, %jit3A, %sign3A_9 : i32
    %sign3A_11 = arith.extui %sign3A_10 : i1 to i32
    %sign3A_12 = arith.subi %sign3A_8, %sign3A_11 : i32
    %ne3A = arith.cmpi ne, %sign3A_5, %sign3A_12 : i32
    %rem3A = arith.remsi %arg0, %jit3A : i32
    %ne3A_13 = arith.constant 0 : i32
    %ne3A_14 = arith.cmpi ne, %rem3A, %ne3A_13 : i32
    %and3A = arith.andi %ne3A, %ne3A_14 : i1
    %sub3A = arith.constant 1 : i32
    %sub3A_15 = arith.subi %div3A, %sub3A : i32
    %select_n3A = arith.select %and3A, %sub3A_15, %div3A : i32
    %jit3A_16 = arith.constant 2 : i32
    %eq3A = arith.constant 0 : i32
    %eq3A_17 = arith.cmpi eq, %jit3A_16, %eq3A : i32
    %jit3A_18 = arith.constant 1 : i32
    %select_n3A_19 = arith.select %eq3A_17, %jit3A_18, %jit3A_16 : i32
    %rem3A_20 = arith.remsi %arg0, %select_n3A_19 : i32
    %ne3A_21 = arith.constant 0 : i32
    %ne3A_22 = arith.cmpi ne, %rem3A_20, %ne3A_21 : i32
    %lt3A = arith.constant 0 : i32
    %lt3A_23 = arith.cmpi slt, %rem3A_20, %lt3A : i32
    %lt3A_24 = arith.constant 0 : i32
    %lt3A_25 = arith.cmpi slt, %select_n3A_19, %lt3A_24 : i32
    %ne3A_26 = arith.xori %lt3A_23, %lt3A_25 : i1
    %and3A_27 = arith.andi %ne3A_26, %ne3A_22 : i1
    %add3A = arith.addi %rem3A_20, %select_n3A_19 : i32
    %select_n3A_28 = arith.select %and3A_27, %add3A, %rem3A_20 : i32
    %c1_i32 = arith.constant 1 : i32
    %c0_i32 = arith.constant 0 : i32
    %c0_i32_29 = arith.constant 0 : i32
    return %select_n3A, %c1_i32, %c0_i32, %select_n3A_28 : i32, i32, i32, i32
  }
  func.func @transform_6(%arg0: i32) -> (i32, i32, i32) {
    %c0_i32 = arith.constant 0 : i32
    %c0_i32_0 = arith.constant 0 : i32
    %c0_i32_1 = arith.constant 0 : i32
    return %arg0, %c0_i32, %c0_i32_0 : i32, i32, i32
  }
  func.func @transform_7(%arg0: i32) -> (i32, i32) {
    %c0_i32 = arith.constant 0 : i32
    %c0_i32_0 = arith.constant 0 : i32
    %c0_i32_1 = arith.constant 0 : i32
    return %c0_i32, %c0_i32_0 : i32, i32
  }
}

</mosaic_0001>

<sc_bundles>
// kernel: kernel.4.cloned.1.call-start
scs
__scs_entry_jumppad:
0x0: {  	(pc) =	sbr.rel $0x88, $3  }
0x1: {  	(tag) =	ssettag $0x0;
	lr =	simm.s32 $0x1  }
0x2: {  	[smem:$0x3F9B] =	sst lr;
	_ =	strace $0xD0000000  }
0x3: {  	_ = 	snop  }
0x4: {  	_ = 	snop  }
0x5: {  	_ = 	snop  }
0x6: {  	_ = 	snop  }
0x7: {  	_ = 	snop  }
__scs_overlays_trampoline_lowered:
0x8: {  	[smem:$0x3FAA] =	sst s0  }
0x9: {  	[smem:$0x3FAB] =	sst s1  }
0xa: {  	[smem:$0x3FAC] =	sst s2  }
0xb: {  	[smem:$0x3FAD] =	sst s3  }
0xc: {  	[smem:$0x3FAE] =	sst s4  }
0xd: {  	[smem:$0x3FAF] =	sst s5  }
0xe: {  	[smem:$0x3FB0] =	sst s6  }
0xf: {  	[smem:$0x3FB1] =	sst s7  }
0x10: {  	[smem:$0x3FB2] =	sst s8  }
0x11: {  	[smem:$0x3FB3] =	sst s9;
	s0 =	simm.s32 @!p0 $0x0  }
0x12: {  	s1 =	sld [smem:$0x3F99];
	s0 =	simm.s32 @p0 $0x1  }
0x13: {  	[smem:$0x3FB4] =	sst s0;
	s0 =	simm.s32 @!p1 $0x0  }
0x14: {  	s2 =	sld [smem:$0x3F98];
	s0 =	simm.s32 @p1 $0x1  }
0x15: {  	[smem:$0x3FB5] =	sst s0;
	s0 =	simm.s32 @!p2 $0x0  }
0x16: {  	s3 =	sld [smem:$0x3FDB];
	s0 =	simm.s32 @p2 $0x1  }
0x17: {  	s4 =	simm.s32 $0x1BF5;
	[smem:$0x3FB7] =	sst s0  }
0x18: {  	s0 =	sld [smem:$0x3F9A];
	_ =	swait.ge [sflag:s4], $0x0  }
0x19: {  	s7 =	sld [smem:$0x3F9B]  }
0x1a: {  	s8 =	sadd.s32 $0xFFFFE003, lr  }
0x1b: {  	s9 =	sadd.s32 $0xFFFFFEF7, lr;
	s5 =	simm.s32 $0xFFFFFFFF;
	p2 =	slt.u32 s8, $0xFFFFF086  }
0x1c: {  	p1 =	slt.u32 s9, $0xF7A;
	s5 =	simm.s32 @!p2 $0x0  }
0x1d: {  	s5 =	simm.s32 @p1 $0x1;
	p0 =	seq.s32 s7, s2  }
0x1e: {  	s7 =	smul.u32 @!p0 $0xF7A, s2;
	p2 =	seq.s32 @!p0 s5, $0x0  }
0x1f: {  	s9 =	smul.u32 $0xF7A, s1;
	s8 =	simm.s32 @!p0 $0x1BF5;
	p2 =	por !p2, p0  }
0x20: {  	[sflag:s8] =	ssyncset.s32 @!p0 $0xFFFFF086;
	s6 =	sadd.s32 @!p0 s3, s7;
	s7 =	simm.s32 @!p0 $0x108  }
0x21: {  	s3 =	sadd.s32 s3, s9;
	s6 =	sadd.s32 @!p0 $0x88, s6;
	s7 =	simm.s32 @p2 $0x1082  }
0x22: {  	[simem:s7], [sflag:s8] =	dma.local @!p0 [hbm:s6], $0xF7A  }
0x23: {  	s9 =	sor.u32 $0xD0000000, s2;
	s6 =	simm.s32 $0x108;
	_ =	swait.ge @!p0 [sflag:s8], $0x0  }
0x24: {  	s3 =	sadd.s32 $0x88, s3;
	s6 =	simm.s32 @!p1 $0x1082;
	[sflag:s4] =	ssyncset.s32 $0xFFFFF086  }
0x25: {  	[simem:s6], [sflag:s4] =	dma.local [hbm:s3], $0xF7A  }
0x26: {  	[smem:$0x3F9B] =	sst s1;
	(tag) =	ssettag s2;
	_ =	strace s9  }
0x27: {  	s1 =	sld [smem:$0x3FAB]  }
0x28: {  	s2 =	sld [smem:$0x3FAC]  }
0x29: {  	s4 =	sld [smem:$0x3FAE]  }
0x2a: {  	p0 =	seq.s32 s5, $0x0;
	s5 =	sld [smem:$0x3FAF]  }
0x2b: {  	s6 =	sld [smem:$0x3FB0]  }
0x2c: {  	s7 =	sld [smem:$0x3FB1]  }
0x2d: {  	s3 =	simm.s32 $0x108;
	s8 =	sld [smem:$0x3FB2]  }
0x2e: {  	s3 =	simm.s32 @!p0 $0x1082;
	s9 =	sld [smem:$0x3FB3]  }
0x2f: {  	lr =	sadd.s32 s0, s3;
	s0 =	sld [smem:$0x3FAA]  }
0x30: {  	s3 =	sld [smem:$0x3FAD]  }
0x31: {  	[smem:$0x3FB6] =	sst s10  }
0x32: {  	s10 =	sld [smem:$0x3FB4];
	_ =	sdelay $0x3  }
0x33: {  	p0 =	seq.s32 s10, $0x1;
	s10 =	sld [smem:$0x3FB6];
	_ =	sdelay $0x3  }
0x34: {  	[smem:$0x3FB6] =	sst s10  }
0x35: {  	s10 =	sld [smem:$0x3FB5];
	_ =	sdelay $0x3  }
0x36: {  	p1 =	seq.s32 s10, $0x1;
	s10 =	sld [smem:$0x3FB6];
	_ =	sdelay $0x3  }
0x37: {  	[smem:$0x3FB6] =	sst s10  }
0x38: {  	s10 =	sld [smem:$0x3FB7]  }
0x39: {  	_ = 	snop;
	(pc) =	sbr.ind lr, $3  }
0x3a: {  	_ = 	snop  }
0x3b: {  	_ = 	snop  }
0x3c: {  	p2 =	seq.s32 s10, $0x1;
	s10 =	sld [smem:$0x3FB6]  }
0x3d: {  	_ =	shalt  }
0x3e: {  	_ =	shalt  }
0x3f: {  	_ =	shalt  }
0x40: {  	_ =	shalt  }
0x41: {  	_ =	shalt  }
0x42: {  	_ =	shalt  }
0x43: {  	_ =	shalt  }
0x44: {  	_ =	shalt  }
0x45: {  	_ =	shalt  }
0x46: {  	_ =	shalt  }
0x47: {  	_ =	shalt  }
0x48: {  	_ =	shalt  }
0x49: {  	_ =	shalt  }
0x4a: {  	_ =	shalt  }
0x4b: {  	_ =	shalt  }
0x4c: {  	_ =	shalt  }
0x4d: {  	_ =	shalt  }
0x4e: {  	_ =	shalt  }
0x4f: {  	_ =	shalt  }
0x50: {  	_ =	shalt  }
0x51: {  	_ =	shalt  }
0x52: {  	_ =	shalt  }
0x53: {  	_ =	shalt  }
0x54: {  	_ =	shalt  }
0x55: {  	_ =	shalt  }
0x56: {  	_ =	shalt  }
0x57: {  	_ =	shalt  }
0x58: {  	_ =	shalt  }
0x59: {  	_ =	shalt  }
0x5a: {  	_ =	shalt  }
0x5b: {  	_ =	shalt  }
0x5c: {  	_ =	shalt  }
0x5d: {  	_ =	shalt  }
0x5e: {  	_ =	shalt  }
0x5f: {  	_ =	shalt  }
0x60: {  	_ =	shalt  }
0x61: {  	_ =	shalt  }
0x62: {  	_ =	shalt  }
0x63: {  	_ =	shalt  }
0x64: {  	_ =	shalt  }
0x65: {  	_ =	shalt  }
0x66: {  	_ =	shalt  }
0x67: {  	_ =	shalt  }
0x68: {  	_ =	shalt  }
0x69: {  	_ =	shalt  }
0x6a: {  	_ =	shalt  }
0x6b: {  	_ =	shalt  }
0x6c: {  	_ =	shalt  }
0x6d: {  	_ =	shalt  }
0x6e: {  	_ =	shalt  }
0x6f: {  	_ =	shalt  }
0x70: {  	_ =	shalt  }
0x71: {  	_ =	shalt  }
0x72: {  	_ =	shalt  }
0x73: {  	_ =	shalt  }
0x74: {  	_ =	shalt  }
0x75: {  	_ =	shalt  }
0x76: {  	_ =	shalt  }
0x77: {  	_ =	shalt  }
0x78: {  	_ =	shalt  }
0x79: {  	_ =	shalt  }
0x7a: {  	_ =	shalt  }
0x7b: {  	_ =	shalt  }
0x7c: {  	_ =	shalt  }
0x7d: {  	_ =	shalt  }
0x7e: {  	_ =	shalt  }
0x7f: {  	_ =	shalt  }
0x80: {  	_ =	shalt  }
0x81: {  	_ =	shalt  }
0x82: {  	_ =	shalt  }
0x83: {  	_ =	shalt  }
0x84: {  	_ =	shalt  }
0x85: {  	_ =	shalt  }
0x86: {  	_ =	shalt  }
0x87: {  	_ =	shalt  }
.Lfunc_end0:
.L_simem_size_0:
called_computation_lowered:
.L_overlay_start_0:
0x88: {  	s2 =	sld [smem:$0x3FD9]  }
0x89: {  	s3 =	sld [smem:$0x3FFE];
	_ =	sdelay $0x1  }
0x8a: {  	s1 =	srdreg.scid  }
0x8b: {  	s0 =	sand.u32 $0x1, s1  }
0x8c: {  	s14 =	sshll.u32 s0, $0xA;
	s2 =	sadd.s32 s3, s2  }
0x8d: {  	s2 =	sadd.s32 s2, s14  }
0x8e: {  	[smem:$0x3FC2] =	sst s2  }
0x8f: {  	_ = 	snop  }
0x90: {  	s2 =	sld [smem:$0x3FD0];
	_ =	sdelay $0x2  }
0x91: {  	s4 =	simm.s32 $0xA;
	s5 =	simm.s32 $0x10;
	s15 =	sld [smem:$0x3FC5]  }
0x92: {  	[smem:s5], [sflag:s4] =	dma.local [hbm:s2], $0x1  }
0x93: {  	_ =	swait.eq [sflag:s4], $0x1  }
0x94: {  	[sflag:s4] =	ssyncset.done $0x0  }
0x95: {  	[sflag:s4] =	ssyncadd.s32 $0xFFFFFFFF  }
0x96: {  	s16 =	sld [smem:$0x10];
	(tm) =	ssettm $0x1  }
0x97: {  	s17 =	sld [smem:$0x3FFB];
	_ =	sdelay $0x3  }
0x98: {  	_ =	strace s17  }
0x99: {  	s4 =	sld [smem:$0x3FFC];
	_ =	sdelay $0x3  }
0x9a: {  	_ =	strace s4  }
0x9b: {  	s4 =	sld [smem:$0x3FFD];
	_ =	sdelay $0x3  }
0x9c: {  	_ =	strace s4  }
0x9d: {  	_ =	strace $0x8FFFFFFF  }
0x9e: {  	s18 =	sld [smem:$0x3FDB];
	_ =	sdelay $0x1  }
0x9f: {  	s19 =	simm.s32 $_scs_section_size  }
0xa0: {  	s6 =	simm.s32 $_size__tile_overlayer_lowered;
	s7 =	simm.s32 $_tile_overlayer_lowered  }
0xa1: {  	s22 =	simm.s32 $0x1BFF;
	s21 =	sshll.u32 s7, $0x1;
	s4 =	sadd.s32 s19, s18  }
0xa2: {  	s8 =	simm.s32 $0x0;
	s20 =	sshll.u32 s6, $0x1;
	s6 =	sadd.s32 s21, s4  }
0xa3: {  	[timem:s8], [sflag:s22] =	dma.local [hbm:s6], s20  }
0xa4: {  	_ =	swait.ge [sflag:s22], s20  }
0xa5: {  	s5 =	ssub.s32 $0x0, s20;
	[sflag:s22] =	ssyncset.done $0x0  }
0xa6: {  	[sflag:s22] =	ssyncadd.s32 s5;
	_ =	sdelay $0x1  }
0xa7: {  	s23 =	simm.s32 $0x1B8B  }
0xa8: {  	_ =	swait.ge [sflag:s23], $0x1  }
0xa9: {  	[sflag:s23] =	ssyncset.done $0x0  }
0xaa: {  	s25 =	simm.s32 $0x1B8E;
	s24 =	sld [smem:$0x3FFE];
	[sflag:s23] =	ssyncadd.s32 $0xFFFFFFFF  }
0xab: {  	s26 =	simm.s32 $execute0_lowered;
	[smem:$0x3FD2] =	sst s25  }
0xac: {  	s6 =	sshll.u32 s26, $0x1;
	_ =	strace $0x80000046;
	[dreg:$0x1] =	wrdreg $0xFFFFFFFF  }
0xad: {  	s28 =	simm.s32 $_size_execute0_lowered;
	s4 =	sadd.s32 s4, s6;
	[dreg:$0x0] =	wrdreg $0x0  }
0xae: {  	s6 =	sshll.u32 s28, $0x1;
	[dreg:$0x2] =	wrdreg s4  }
0xaf: {  	[dreg:$0x3] =	wrdreg s6  }
0xb0: {  	[dreg:$0x4] =	wrdreg $0xC0  }
0xb1: {  	_ =	task [dreg:s8], $0x5FFFF  }
0xb2: {  	[dreg:$0x1] =	wrdreg $0xFFFFFFFF  }
0xb3: {  	[dreg:$0x0] =	wrdreg $0x60  }
0xb4: {  	[dreg:$0x2] =	wrdreg s15  }
0xb5: {  	[dreg:$0x3] =	wrdreg s24  }
0xb6: {  	[dreg:$0x4] =	wrdreg s16  }
0xb7: {  	[dreg:$0x5] =	wrdreg $0x9  }
0xb8: {  	_ =	task.clear_ibuf [dreg:s8], $0x6FFFF;
	_ =	strace $0x90000046  }
0xb9: {  	s29 =	simm.s32 $0x9;
	_ =	strace $0x80000048  }
0xba: {  	_ =	swait.ge [sflag:s29], $0x1  }
0xbb: {  	[sflag:s29] =	ssyncadd.s32 $0xFFFFFFFF  }
0xbc: {  	_ =	strace $0x90000048  }
0xbd: {  	_ =	sfence  }
0xbe: {  	s30 =	sld [smem:$0x0];
	_ =	sdelay $0x2  }
0xbf: {  	s31 =	sshll.u32 s1, $0xD;
	s1 =	sshrl.u32 s1, $0x2  }
0xc0: {  	s3 =	sand.u32 $0x4000, s31;
	s1 =	sadd.s32 s1, s30  }
0xc1: {  	s0 =	sor.u32 s3, s0;
	s1 =	sshll.u32 s1, $0x11  }
0xc2: {  	s0 =	sor.u32 s1, s0  }
0xc3: {  	s0 =	sadd.s32 $0x8F2B, s0  }
0xc4: {  	[sflag:s0] =	ssyncadd.remote.s32 $0x1  }
0xc5: {  	_ =	sfence.sel $0xFFFF  }
0xc6: {  	[dreg:$0x0] =	wrdreg $0xFFFFFFFF;
	(pc) =	sbr.abs _section_cstart, $3  }
0xc7: {  	[dreg:$0x1] =	wrdreg $0xFFFFFFFF  }
0xc8: {  	_ =	task.clear_ibuf [dreg:s8], $0x2FFFF;
	_ =	strace $0x9FFFFFFF  }
0xc9: {  	(tm) =	ssettm $0x7FFFFFFF  }
tec
execute0_lowered:
.L_overlay_start_1:
0x0: {  	(tag) =	ssettag $0x1  }
0x1: {  	s1 =	rddreg [dreg:$0x0]  }
0x2: {  	s0 =	srdreg.scid;
	s4 =	rddreg [dreg:$0x1]  }
0x3: {  	s3 =	stileid.u32;
	s9 =	rddreg [dreg:$0x2]  }
0x4: {  	s7 =	simm.s32 $0x10;
	s0 =	sand.u32 $0x1, s0;
	s8 =	sand.u32 $0x1, s3  }
0x5: {  	s5 =	sshrl.u32 s3, $0x1;
	s2 =	sor.u32 s0, s3;
	s3 =	simm.s32 $0x0  }
0x6: {  	s18 =	simm.s32 $0x80;
	s19 =	simm.s32 $0x8980;
	[smem:$0x7FF] =	sst s3  }
0x7: {  	s20 =	simm.s32 $0x9180;
	_ =	strace $0x80000047;
	[dreg:$0xb] =	wrdreg s18  }
0x8: {  	s21 =	simm.s32 $0x9980;
	s22 =	simm.s32 $0xA180;
	[dreg:$0xc] =	wrdreg s19  }
0x9: {  	s23 =	simm.s32 $0xA980;
	s24 =	simm.s32 $0xB180;
	[dreg:$0xd] =	wrdreg s20  }
0xa: {  	s25 =	simm.s32 $0xB980;
	s26 =	simm.s32 $0xC180;
	[dreg:$0xe] =	wrdreg s21  }
0xb: {  	s28 =	simm.s32 $0x1000;
	s31 =	simm.s32 $0x4;
	[dreg:$0xf] =	wrdreg s22  }
0xc: {  	s29 =	simm.s32 $0x8180;
	s30 =	simm.s32 $0x10180;
	[dreg:$0x10] =	wrdreg s23  }
0xd: {  	p1 =	seq.s32 s0, $0x1;
	s6 =	sshll.u32 s5, $0xA;
	[dreg:$0x11] =	wrdreg s24  }
0xe: {  	s10 =	sshll.u32 s0, $0xF;
	s5 =	sshll.u32 s5, $0x10;
	[dreg:$0x12] =	wrdreg s25  }
0xf: {  	p0 =	seq.s32 s2, $0x0;
	[dreg:$0x13] =	wrdreg s26;
	s18 =	simm.s32 $0x13980  }
0x10: {  	s2 =	simm.s32 $0x3;
	s19 =	simm.s32 $0x14180;
	[smem:$0x7F5] =	sst s18  }
0x11: {  	p0 =	por !p0, !p1;
	s20 =	simm.s32 $0x14980;
	[smem:$0x7F6] =	sst s19  }
0x12: {  	p1 =	seq.s32 s8, $0x1;
	s21 =	simm.s32 $0x15180;
	[smem:$0x7F7] =	sst s20  }
0x13: {  	s8 =	sshll.u32 s0, $0x9;
	s22 =	simm.s32 $0x15980;
	[smem:$0x7F8] =	sst s21  }
0x14: {  	s0 =	ssub.s32 $0x2, s0;
	s23 =	simm.s32 $0x16180;
	[smem:$0x7F9] =	sst s22  }
0x15: {  	s24 =	simm.s32 $0x16980;
	s25 =	simm.s32 $0x17180;
	[smem:$0x7FA] =	sst s23  }
0x16: {  	s26 =	simm.s32 $0x17980;
	p2 =	por !p0, !p0;
	[smem:$0x7FB] =	sst s24  }
0x17: {  	p0 =	por !p1, !p1;
	s6 =	sor.u32 s8, s6;
	[smem:$0x7FC] =	sst s25  }
0x18: {  	s8 =	simm.s32 $0xE180;
	[smem:$0x7FD] =	sst s26;
	p0 =	por @!p2 p1, p1  }
0x19: {  	s25 =	simm.s32 $0x1;
	s26 =	simm.s32 $0x800;
	s7 =	simm.s32 @!p0 $0x0  }
0x1a: {  	s18 =	simm.s32 $0x4980;
	[dreg:$0x17] =	wrdreg s8;
	s6 =	sor.u32 s7, s6  }
0x1b: {  	s6 =	sadd.s32 s6, s4;
	s4 =	sor.u32 s10, s5;
	s5 =	simm.s32 $0xD180  }
0x1c: {  	s19 =	simm.s32 $0x5180;
	s10 =	simm.s32 $0xF180;
	[dreg:$0x15] =	wrdreg s5  }
0x1d: {  	s20 =	simm.s32 $0x5980;
	s11 =	sadd.s32 $0x800, s6;
	[dreg:$0x19] =	wrdreg s10  }
0x1e: {  	s21 =	simm.s32 $0x6180;
	s12 =	sadd.s32 $0x880, s6;
	[dreg:$0x4] =	wrdreg s11  }
0x1f: {  	s7 =	simm.s32 $0x100;
	s13 =	sadd.s32 $0x900, s6;
	[dreg:$0x5] =	wrdreg s12  }
0x20: {  	s7 =	simm.s32 @!p0 $0x0;
	s15 =	sadd.s32 $0x980, s6;
	[dreg:$0x6] =	wrdreg s13  }
0x21: {  	s4 =	sor.u32 s4, s7;
	s7 =	simm.s32 $0xD980;
	[dreg:$0x8] =	wrdreg s15  }
0x22: {  	s22 =	simm.s32 $0x6980;
	s4 =	sadd.s32 s9, s4;
	[dreg:$0x16] =	wrdreg s7  }
0x23: {  	s23 =	simm.s32 $0x7180;
	s9 =	simm.s32 $0xE980;
	[smem:$0x7F3] =	sst s4  }
0x24: {  	s24 =	simm.s32 $0x7980;
	s11 =	simm.s32 $0xF980;
	[dreg:$0x18] =	wrdreg s9  }
0x25: {  	s8 =	simm.s32 $0x180;
	s12 =	simm.s32 $0x10980;
	[dreg:$0x1a] =	wrdreg s11  }
0x26: {  	s6 =	sshrl.u32 s0, $0x1;
	s13 =	simm.s32 $0x11180;
	[dreg:$0x1b] =	wrdreg s12  }
0x27: {  	s5 =	simm.s32 $0x6;
	s15 =	simm.s32 $0x12180;
	[dreg:$0x1c] =	wrdreg s13  }
0x28: {  	s0 =	ssub.s32 s0, s6;
	s14 =	sadd.s32 $0x2000, s4;
	[dreg:$0x1e] =	wrdreg s15  }
0x29: {  	s7 =	simm.s32 $0x7;
	s16 =	sadd.s32 $0x4000, s4;
	[dreg:$0x7] =	wrdreg s14  }
0x2a: {  	s17 =	sadd.s32 $0x6000, s4;
	s4 =	simm.s32 $0xC980;
	[dreg:$0x9] =	wrdreg s16  }
0x2b: {  	s6 =	smax.u32 s0, $0x1;
	s0 =	simm.s32 $0x5;
	[dreg:$0xa] =	wrdreg s17  }
0x2c: {  	s11 =	simm.s32 $0x1180;
	[dreg:$0x14] =	wrdreg s4;
	s14 =	simm.s32 $0x11980  }
0x2d: {  	s12 =	simm.s32 $0x1980;
	s16 =	simm.s32 $0x12980;
	[dreg:$0x1d] =	wrdreg s14  }
0x2e: {  	v2 =	vlaneseq.u32;
	s13 =	simm.s32 $0x2180;
	s17 =	simm.s32 $0x13180;
	[dreg:$0x1f] =	wrdreg s16  }
0x2f: {  	vm0 =	vmmov $0xffff;
	v1 =	vshrl.u32 v2, $0x3;
	s15 =	simm.s32 $0x3180;
	s4 =	simm.s32 $0x980;
	[smem:$0x7F4] =	sst s17  }
0x30: {  	v0 =	vand.u32 $0x7, v2;
	v2 =	vor.u32 $0x8, v2;
	v1 =	vmul.u32 $0x8, v1;
	s14 =	simm.s32 $0x2980;
	s16 =	simm.s32 $0x3980;
	s17 =	simm.s32 $0x4180  }
.LBB2_1:
0x31: {  	s9 =	rddreg [dreg:$0x4]  }
0x32: {  	[tilespmem:s3], [sflag:$0x7] =	stream.linear.gather [hbm4b:s9+s3], $0x80, $0x38;
	[tilespmem:$0x18180] =	vst v63  }
0x33: {  	_ =	swait.ge [sflag:s7], $0x80  }
0x34: {  	[sflag:s7] =	ssyncset.done $0x0  }
0x35: {  	[sflag:s7] =	ssyncadd.s32 $0xFFFFFF80  }
0x36: {  	v3 =	vld [tilespmem:$0x0];
	_ =	sdelay $0x4  }
0x37: {  	v4 =	vshll.u32 v3, $0x1  }
0x38: {  	v3 =	vand.u32 $0x7, v3;
	v4 =	vand.u32 $0xFFFFFFF0, v4  }
0x39: {  	v3 =	vor.u32 v3, v4  }
0x3a: {  	v4 =	vperm.xlane v3, v0;
	_ =	sdelay $0x1  }
0x3b: {  	v3 =	vperm.xlane v3, v2;
	v4 =	vadd.s32 v1, v4;
	_ =	sdelay $0x1  }
0x3c: {  	v3 =	vadd.s32 v1, v3;
	_ =	sdelay $0x2  }
0x3d: {  	[tilespmem:s8], [sflag:$0x1] =	stream.indirect_vreg.gather [hbm4b:s1+s3], $0x80, v4, vm0, $0xb8;
	[tilespmem:$0x18180] =	vst v63  }
0x3e: {  	_ = 	snop  }
0x3f: {  	[tilespmem:s4], [sflag:$0x1] =	stream.indirect_vreg.gather [hbm4b:s1+s3], $0x80, v3, vm0, $0xb8;
	[tilespmem:$0x18180] =	vst v63  }
0x40: {  	v3 =	vld [tilespmem:$0x10];
	_ =	sdelay $0x4  }
0x41: {  	v33 =	vshll.u32 v3, $0x1  }
0x42: {  	v3 =	vand.u32 $0x7, v3;
	v4 =	vand.u32 $0xFFFFFFF0, v33  }
0x43: {  	v3 =	vor.u32 v3, v4  }
0x44: {  	v4 =	vperm.xlane v3, v0;
	_ =	sdelay $0x1  }
0x45: {  	v3 =	vperm.xlane v3, v2;
	v4 =	vadd.s32 v1, v4;
	_ =	sdelay $0x1  }
0x46: {  	v3 =	vadd.s32 v1, v3;
	_ =	sdelay $0x2  }
0x47: {  	[tilespmem:s11], [sflag:$0x1] =	stream.indirect_vreg.gather [hbm4b:s1+s3], $0x80, v4, vm0, $0xb8;
	[tilespmem:$0x18180] =	vst v63  }
0x48: {  	_ = 	snop  }
0x49: {  	[tilespmem:s12], [sflag:$0x1] =	stream.indirect_vreg.gather [hbm4b:s1+s3], $0x80, v3, vm0, $0xb8;
	[tilespmem:$0x18180] =	vst v63  }
0x4a: {  	v3 =	vld [tilespmem:$0x20];
	_ =	sdelay $0x4  }
0x4b: {  	v34 =	vshll.u32 v3, $0x1  }
0x4c: {  	v3 =	vand.u32 $0x7, v3;
	v4 =	vand.u32 $0xFFFFFFF0, v34  }
0x4d: {  	v3 =	vor.u32 v3, v4  }
0x4e: {  	v4 =	vperm.xlane v3, v0;
	_ =	sdelay $0x1  }
0x4f: {  	v3 =	vperm.xlane v3, v2;
	v4 =	vadd.s32 v1, v4;
	_ =	sdelay $0x1  }
0x50: {  	v3 =	vadd.s32 v1, v3;
	_ =	sdelay $0x2  }
0x51: {  	[tilespmem:s13], [sflag:$0x1] =	stream.indirect_vreg.gather [hbm4b:s1+s3], $0x80, v4, vm0, $0xb8;
	[tilespmem:$0x18180] =	vst v63  }
0x52: {  	_ = 	snop  }
0x53: {  	[tilespmem:s14], [sflag:$0x1] =	stream.indirect_vreg.gather [hbm4b:s1+s3], $0x80, v3, vm0, $0xb8;
	[tilespmem:$0x18180] =	vst v63  }
0x54: {  	v3 =	vld [tilespmem:$0x30];
	_ =	sdelay $0x4  }
0x55: {  	v35 =	vshll.u32 v3, $0x1  }
0x56: {  	v3 =	vand.u32 $0x7, v3;
	v4 =	vand.u32 $0xFFFFFFF0, v35  }
0x57: {  	v3 =	vor.u32 v3, v4  }
0x58: {  	v4 =	vperm.xlane v3, v0;
	_ =	sdelay $0x1  }
0x59: {  	v3 =	vperm.xlane v3, v2;
	v4 =	vadd.s32 v1, v4;
	_ =	sdelay $0x1  }
0x5a: {  	v3 =	vadd.s32 v1, v3;
	_ =	sdelay $0x2  }
0x5b: {  	[tilespmem:s15], [sflag:$0x1] =	stream.indirect_vreg.gather [hbm4b:s1+s3], $0x80, v4, vm0, $0xb8;
	[tilespmem:$0x18180] =	vst v63  }
0x5c: {  	_ = 	snop  }
0x5d: {  	[tilespmem:s16], [sflag:$0x1] =	stream.indirect_vreg.gather [hbm4b:s1+s3], $0x80, v3, vm0, $0xb8;
	[tilespmem:$0x18180] =	vst v63  }
0x5e: {  	v3 =	vld [tilespmem:$0x40];
	_ =	sdelay $0x4  }
0x5f: {  	v36 =	vshll.u32 v3, $0x1  }
0x60: {  	v3 =	vand.u32 $0x7, v3;
	v4 =	vand.u32 $0xFFFFFFF0, v36  }
0x61: {  	v3 =	vor.u32 v3, v4  }
0x62: {  	v4 =	vperm.xlane v3, v0;
	_ =	sdelay $0x1  }
0x63: {  	v3 =	vperm.xlane v3, v2;
	v4 =	vadd.s32 v1, v4;
	_ =	sdelay $0x1  }
0x64: {  	v3 =	vadd.s32 v1, v3;
	_ =	sdelay $0x2  }
0x65: {  	[tilespmem:s17], [sflag:$0x1] =	stream.indirect_vreg.gather [hbm4b:s1+s3], $0x80, v4, vm0, $0xb8;
	[tilespmem:$0x18180] =	vst v63  }
0x66: {  	_ = 	snop  }
0x67: {  	[tilespmem:s18], [sflag:$0x1] =	stream.indirect_vreg.gather [hbm4b:s1+s3], $0x80, v3, vm0, $0xb8;
	[tilespmem:$0x18180] =	vst v63  }
0x68: {  	v3 =	vld [tilespmem:$0x50];
	_ =	sdelay $0x4  }
0x69: {  	v37 =	vshll.u32 v3, $0x1  }
0x6a: {  	v3 =	vand.u32 $0x7, v3;
	v4 =	vand.u32 $0xFFFFFFF0, v37  }
0x6b: {  	v3 =	vor.u32 v3, v4  }
0x6c: {  	v4 =	vperm.xlane v3, v0;
	_ =	sdelay $0x1  }
0x6d: {  	v3 =	vperm.xlane v3, v2;
	v4 =	vadd.s32 v1, v4;
	_ =	sdelay $0x1  }
0x6e: {  	v3 =	vadd.s32 v1, v3;
	_ =	sdelay $0x2  }
0x6f: {  	[tilespmem:s19], [sflag:$0x1] =	stream.indirect_vreg.gather [hbm4b:s1+s3], $0x80, v4, vm0, $0xb8;
	[tilespmem:$0x18180] =	vst v63  }
0x70: {  	_ = 	snop  }
0x71: {  	[tilespmem:s20], [sflag:$0x1] =	stream.indirect_vreg.gather [hbm4b:s1+s3], $0x80, v3, vm0, $0xb8;
	[tilespmem:$0x18180] =	vst v63  }
0x72: {  	v3 =	vld [tilespmem:$0x60];
	_ =	sdelay $0x4  }
0x73: {  	v38 =	vshll.u32 v3, $0x1  }
0x74: {  	v3 =	vand.u32 $0x7, v3;
	v4 =	vand.u32 $0xFFFFFFF0, v38  }
0x75: {  	v3 =	vor.u32 v3, v4  }
0x76: {  	v4 =	vperm.xlane v3, v0;
	_ =	sdelay $0x1  }
0x77: {  	v3 =	vperm.xlane v3, v2;
	v4 =	vadd.s32 v1, v4;
	_ =	sdelay $0x1  }
0x78: {  	v3 =	vadd.s32 v1, v3;
	_ =	sdelay $0x2  }
0x79: {  	[tilespmem:s21], [sflag:$0x1] =	stream.indirect_vreg.gather [hbm4b:s1+s3], $0x80, v4, vm0, $0xb8;
	[tilespmem:$0x18180] =	vst v63  }
0x7a: {  	_ = 	snop  }
0x7b: {  	[tilespmem:s22], [sflag:$0x1] =	stream.indirect_vreg.gather [hbm4b:s1+s3], $0x80, v3, vm0, $0xb8;
	[tilespmem:$0x18180] =	vst v63  }
0x7c: {  	v3 =	vld [tilespmem:$0x70];
	_ =	sdelay $0x4  }
0x7d: {  	v39 =	vshll.u32 v3, $0x1  }
0x7e: {  	v3 =	vand.u32 $0x7, v3;
	v4 =	vand.u32 $0xFFFFFFF0, v39  }
0x7f: {  	v3 =	vor.u32 v3, v4  }
0x80: {  	v4 =	vperm.xlane v3, v0;
	_ =	sdelay $0x1  }
0x81: {  	v3 =	vperm.xlane v3, v2;
	v4 =	vadd.s32 v1, v4;
	_ =	sdelay $0x1  }
0x82: {  	v3 =	vadd.s32 v1, v3;
	_ =	sdelay $0x2  }
0x83: {  	[tilespmem:s23], [sflag:$0x1] =	stream.indirect_vreg.gather [hbm4b:s1+s3], $0x80, v4, vm0, $0xb8;
	[tilespmem:$0x18180] =	vst v63  }
0x84: {  	s9 =	rddreg [dreg:$0x5]  }
0x85: {  	[tilespmem:s24], [sflag:$0x1] =	stream.indirect_vreg.gather [hbm4b:s1+s3], $0x80, v3, vm0, $0xb8;
	[tilespmem:$0x18180] =	vst v63  }
0x86: {  	s10 =	rddreg [dreg:$0xb]  }
0x87: {  	[tilespmem:s10], [sflag:$0x7] =	stream.linear.gather [hbm4b:s9+s3], $0x80, $0x38;
	[tilespmem:$0x18180] =	vst v63  }
0x88: {  	_ =	swait.ge [sflag:s7], $0x80  }
0x89: {  	[sflag:s7] =	ssyncset.done $0x0  }
0x8a: {  	[sflag:s7] =	ssyncadd.s32 $0xFFFFFF80  }
0x8b: {  	v3 =	vld [tilespmem:$0x80];
	_ =	sdelay $0x4  }
0x8c: {  	v40 =	vshll.u32 v3, $0x1  }
0x8d: {  	v3 =	vand.u32 $0x7, v3;
	v4 =	vand.u32 $0xFFFFFFF0, v40  }
0x8e: {  	v3 =	vor.u32 v3, v4  }
0x8f: {  	v4 =	vperm.xlane v3, v0;
	_ =	sdelay $0x1  }
0x90: {  	v3 =	vperm.xlane v3, v2;
	v4 =	vadd.s32 v1, v4;
	_ =	sdelay $0x1  }
0x91: {  	v3 =	vadd.s32 v1, v3;
	_ =	sdelay $0x2  }
0x92: {  	[tilespmem:s29], [sflag:$0x2] =	stream.indirect_vreg.gather [hbm4b:s1+s3], $0x80, v4, vm0, $0xb8;
	[tilespmem:$0x18180] =	vst v63  }
0x93: {  	s10 =	rddreg [dreg:$0xc]  }
0x94: {  	[tilespmem:s10], [sflag:$0x2] =	stream.indirect_vreg.gather [hbm4b:s1+s3], $0x80, v3, vm0, $0xb8;
	[tilespmem:$0x18180] =	vst v63  }
0x95: {  	v3 =	vld [tilespmem:$0x90];
	_ =	sdelay $0x4  }
0x96: {  	v41 =	vshll.u32 v3, $0x1  }
0x97: {  	v3 =	vand.u32 $0x7, v3;
	v4 =	vand.u32 $0xFFFFFFF0, v41  }
0x98: {  	v3 =	vor.u32 v3, v4  }
0x99: {  	v4 =	vperm.xlane v3, v0;
	_ =	sdelay $0x1  }
0x9a: {  	v3 =	vperm.xlane v3, v2;
	v4 =	vadd.s32 v1, v4;
	_ =	sdelay $0x1  }
0x9b: {  	v3 =	vadd.s32 v1, v3;
	_ =	sdelay $0x1  }
0x9c: {  	s9 =	rddreg [dreg:$0xd]  }
0x9d: {  	[tilespmem:s9], [sflag:$0x2] =	stream.indirect_vreg.gather [hbm4b:s1+s3], $0x80, v4, vm0, $0xb8;
	[tilespmem:$0x18180] =	vst v63  }
0x9e: {  	s10 =	rddreg [dreg:$0xe]  }
0x9f: {  	[tilespmem:s10], [sflag:$0x2] =	stream.indirect_vreg.gather [hbm4b:s1+s3], $0x80, v3, vm0, $0xb8;
	[tilespmem:$0x18180] =	vst v63  }
0xa0: {  	v3 =	vld [tilespmem:$0xA0];
	_ =	sdelay $0x4  }
0xa1: {  	v42 =	vshll.u32 v3, $0x1  }
0xa2: {  	v3 =	vand.u32 $0x7, v3;
	v4 =	vand.u32 $0xFFFFFFF0, v42  }
0xa3: {  	v3 =	vor.u32 v3, v4  }
0xa4: {  	v4 =	vperm.xlane v3, v0;
	_ =	sdelay $0x1  }
0xa5: {  	v3 =	vperm.xlane v3, v2;
	v4 =	vadd.s32 v1, v4;
	_ =	sdelay $0x1  }
0xa6: {  	v3 =	vadd.s32 v1, v3;
	_ =	sdelay $0x1  }
0xa7: {  	s9 =	rddreg [dreg:$0xf]  }
0xa8: {  	[tilespmem:s9], [sflag:$0x2] =	stream.indirect_vreg.gather [hbm4b:s1+s3], $0x80, v4, vm0, $0xb8;
	[tilespmem:$0x18180] =	vst v63  }
0xa9: {  	s10 =	rddreg [dreg:$0x10]  }
0xaa: {  	[tilespmem:s10], [sflag:$0x2] =	stream.indirect_vreg.gather [hbm4b:s1+s3], $0x80, v3, vm0, $0xb8;
	[tilespmem:$0x18180] =	vst v63  }
0xab: {  	v3 =	vld [tilespmem:$0xB0];
	_ =	sdelay $0x4  }
0xac: {  	v43 =	vshll.u32 v3, $0x1  }
0xad: {  	v3 =	vand.u32 $0x7, v3;
	v4 =	vand.u32 $0xFFFFFFF0, v43  }
0xae: {  	v3 =	vor.u32 v3, v4  }
0xaf: {  	v4 =	vperm.xlane v3, v0;
	_ =	sdelay $0x1  }
0xb0: {  	v3 =	vperm.xlane v3, v2;
	v4 =	vadd.s32 v1, v4;
	_ =	sdelay $0x1  }
0xb1: {  	v3 =	vadd.s32 v1, v3;
	_ =	sdelay $0x1  }
0xb2: {  	s9 =	rddreg [dreg:$0x11]  }
0xb3: {  	[tilespmem:s9], [sflag:$0x2] =	stream.indirect_vreg.gather [hbm4b:s1+s3], $0x80, v4, vm0, $0xb8;
	[tilespmem:$0x18180] =	vst v63  }
0xb4: {  	s10 =	rddreg [dreg:$0x12]  }
0xb5: {  	[tilespmem:s10], [sflag:$0x2] =	stream.indirect_vreg.gather [hbm4b:s1+s3], $0x80, v3, vm0, $0xb8;
	[tilespmem:$0x18180] =	vst v63  }
0xb6: {  	v3 =	vld [tilespmem:$0xC0];
	_ =	sdelay $0x4  }
0xb7: {  	v44 =	vshll.u32 v3, $0x1  }
0xb8: {  	v3 =	vand.u32 $0x7, v3;
	v4 =	vand.u32 $0xFFFFFFF0, v44  }
0xb9: {  	v3 =	vor.u32 v3, v4  }
0xba: {  	v4 =	vperm.xlane v3, v0;
	_ =	sdelay $0x1  }
0xbb: {  	v3 =	vperm.xlane v3, v2;
	v4 =	vadd.s32 v1, v4;
	_ =	sdelay $0x1  }
0xbc: {  	v3 =	vadd.s32 v1, v3;
	_ =	sdelay $0x1  }
0xbd: {  	s9 =	rddreg [dreg:$0x13]  }
0xbe: {  	[tilespmem:s9], [sflag:$0x2] =	stream.indirect_vreg.gather [hbm4b:s1+s3], $0x80, v4, vm0, $0xb8;
	[tilespmem:$0x18180] =	vst v63  }
0xbf: {  	s10 =	rddreg [dreg:$0x14]  }
0xc0: {  	[tilespmem:s10], [sflag:$0x2] =	stream.indirect_vreg.gather [hbm4b:s1+s3], $0x80, v3, vm0, $0xb8;
	[tilespmem:$0x18180] =	vst v63  }
0xc1: {  	v3 =	vld [tilespmem:$0xD0];
	_ =	sdelay $0x4  }
0xc2: {  	v45 =	vshll.u32 v3, $0x1  }
0xc3: {  	v3 =	vand.u32 $0x7, v3;
	v4 =	vand.u32 $0xFFFFFFF0, v45  }
0xc4: {  	v3 =	vor.u32 v3, v4  }
0xc5: {  	v4 =	vperm.xlane v3, v0;
	_ =	sdelay $0x1  }
0xc6: {  	v3 =	vperm.xlane v3, v2;
	v4 =	vadd.s32 v1, v4;
	_ =	sdelay $0x1  }
0xc7: {  	v3 =	vadd.s32 v1, v3;
	_ =	sdelay $0x1  }
0xc8: {  	s9 =	rddreg [dreg:$0x15]  }
0xc9: {  	[tilespmem:s9], [sflag:$0x2] =	stream.indirect_vreg.gather [hbm4b:s1+s3], $0x80, v4, vm0, $0xb8;
	[tilespmem:$0x18180] =	vst v63  }
0xca: {  	s10 =	rddreg [dreg:$0x16]  }
0xcb: {  	[tilespmem:s10], [sflag:$0x2] =	stream.indirect_vreg.gather [hbm4b:s1+s3], $0x80, v3, vm0, $0xb8;
	[tilespmem:$0x18180] =	vst v63  }
0xcc: {  	v3 =	vld [tilespmem:$0xE0];
	_ =	sdelay $0x4  }
0xcd: {  	v46 =	vshll.u32 v3, $0x1  }
0xce: {  	v3 =	vand.u32 $0x7, v3;
	v4 =	vand.u32 $0xFFFFFFF0, v46  }
0xcf: {  	v3 =	vor.u32 v3, v4  }
0xd0: {  	v4 =	vperm.xlane v3, v0;
	_ =	sdelay $0x1  }
0xd1: {  	v3 =	vperm.xlane v3, v2;
	v4 =	vadd.s32 v1, v4;
	_ =	sdelay $0x1  }
0xd2: {  	v3 =	vadd.s32 v1, v3;
	_ =	sdelay $0x1  }
0xd3: {  	s9 =	rddreg [dreg:$0x17]  }
0xd4: {  	[tilespmem:s9], [sflag:$0x2] =	stream.indirect_vreg.gather [hbm4b:s1+s3], $0x80, v4, vm0, $0xb8;
	[tilespmem:$0x18180] =	vst v63  }
0xd5: {  	s10 =	rddreg [dreg:$0x18]  }
0xd6: {  	[tilespmem:s10], [sflag:$0x2] =	stream.indirect_vreg.gather [hbm4b:s1+s3], $0x80, v3, vm0, $0xb8;
	[tilespmem:$0x18180] =	vst v63  }
0xd7: {  	v3 =	vld [tilespmem:$0xF0];
	_ =	sdelay $0x4  }
0xd8: {  	v47 =	vshll.u32 v3, $0x1  }
0xd9: {  	v3 =	vand.u32 $0x7, v3;
	v4 =	vand.u32 $0xFFFFFFF0, v47  }
0xda: {  	v3 =	vor.u32 v3, v4  }
0xdb: {  	v4 =	vperm.xlane v3, v0;
	_ =	sdelay $0x1  }
0xdc: {  	v3 =	vperm.xlane v3, v2;
	v4 =	vadd.s32 v1, v4;
	_ =	sdelay $0x1  }
0xdd: {  	v3 =	vadd.s32 v1, v3;
	_ =	sdelay $0x1  }
0xde: {  	s9 =	rddreg [dreg:$0x19]  }
0xdf: {  	[tilespmem:s9], [sflag:$0x2] =	stream.indirect_vreg.gather [hbm4b:s1+s3], $0x80, v4, vm0, $0xb8;
	[tilespmem:$0x18180] =	vst v63  }
0xe0: {  	s10 =	rddreg [dreg:$0x1a]  }
0xe1: {  	[tilespmem:s10], [sflag:$0x2] =	stream.indirect_vreg.gather [hbm4b:s1+s3], $0x80, v3, vm0, $0xb8;
	[tilespmem:$0x18180] =	vst v63  }
0xe2: {  	_ =	swait.ge [sflag:s25], $0x8000  }
0xe3: {  	s10 =	sld [smem:$0x7F3]  }
0xe4: {  	[sflag:s25] =	ssyncset.done $0x0  }
0xe5: {  	[sflag:s25] =	ssyncadd.s32 $0xFFFF8000  }
0xe6: {  	[hbm4b:s10+s26] =	stream.strided.scatter [tilespmem:s8], [sflag:$0x4], $0x8000, s28, s26, $0x38;
	[tilespmem:$0x18180] =	vst v63  }
0xe7: {  	s9 =	rddreg [dreg:$0x6];
	s10 =	simm.s32 $0x100  }
0xe8: {  	[tilespmem:s10], [sflag:$0x7] =	stream.linear.gather [hbm4b:s9+s3], $0x80, $0x38;
	[tilespmem:$0x18180] =	vst v63  }
0xe9: {  	_ =	swait.ge [sflag:s7], $0x80  }
0xea: {  	[sflag:s7] =	ssyncset.done $0x0  }
0xeb: {  	[sflag:s7] =	ssyncadd.s32 $0xFFFFFF80  }
0xec: {  	v3 =	vld [tilespmem:$0x100];
	_ =	sdelay $0x4  }
0xed: {  	v48 =	vshll.u32 v3, $0x1  }
0xee: {  	v3 =	vand.u32 $0x7, v3;
	v4 =	vand.u32 $0xFFFFFFF0, v48  }
0xef: {  	v3 =	vor.u32 v3, v4  }
0xf0: {  	v4 =	vperm.xlane v3, v0;
	_ =	sdelay $0x1  }
0xf1: {  	v3 =	vperm.xlane v3, v2;
	v4 =	vadd.s32 v1, v4;
	_ =	sdelay $0x1  }
0xf2: {  	v3 =	vadd.s32 v1, v3;
	_ =	sdelay $0x2  }
0xf3: {  	[tilespmem:s30], [sflag:$0x3] =	stream.indirect_vreg.gather [hbm4b:s1+s3], $0x80, v4, vm0, $0xb8;
	[tilespmem:$0x18180] =	vst v63  }
0xf4: {  	s10 =	rddreg [dreg:$0x1b]  }
0xf5: {  	[tilespmem:s10], [sflag:$0x3] =	stream.indirect_vreg.gather [hbm4b:s1+s3], $0x80, v3, vm0, $0xb8;
	[tilespmem:$0x18180] =	vst v63  }
0xf6: {  	v3 =	vld [tilespmem:$0x110];
	_ =	sdelay $0x4  }
0xf7: {  	v49 =	vshll.u32 v3, $0x1  }
0xf8: {  	v3 =	vand.u32 $0x7, v3;
	v4 =	vand.u32 $0xFFFFFFF0, v49  }
0xf9: {  	v3 =	vor.u32 v3, v4  }
0xfa: {  	v4 =	vperm.xlane v3, v0;
	_ =	sdelay $0x1  }
0xfb: {  	v3 =	vperm.xlane v3, v2;
	v4 =	vadd.s32 v1, v4;
	_ =	sdelay $0x1  }
0xfc: {  	v3 =	vadd.s32 v1, v3;
	_ =	sdelay $0x1  }
0xfd: {  	s9 =	rddreg [dreg:$0x1c]  }
0xfe: {  	[tilespmem:s9], [sflag:$0x3] =	stream.indirect_vreg.gather [hbm4b:s1+s3], $0x80, v4, vm0, $0xb8;
	[tilespmem:$0x18180] =	vst v63  }
0xff: {  	s10 =	rddreg [dreg:$0x1d]  }
0x100: {  	[tilespmem:s10], [sflag:$0x3] =	stream.indirect_vreg.gather [hbm4b:s1+s3], $0x80, v3, vm0, $0xb8;
	[tilespmem:$0x18180] =	vst v63  }
0x101: {  	v3 =	vld [tilespmem:$0x120];
	_ =	sdelay $0x4  }
0x102: {  	v50 =	vshll.u32 v3, $0x1  }
0x103: {  	v3 =	vand.u32 $0x7, v3;
	v4 =	vand.u32 $0xFFFFFFF0, v50  }
0x104: {  	v3 =	vor.u32 v3, v4  }
0x105: {  	v4 =	vperm.xlane v3, v0;
	_ =	sdelay $0x1  }
0x106: {  	v3 =	vperm.xlane v3, v2;
	v4 =	vadd.s32 v1, v4;
	_ =	sdelay $0x1  }
0x107: {  	v3 =	vadd.s32 v1, v3;
	_ =	sdelay $0x1  }
0x108: {  	s9 =	rddreg [dreg:$0x1e]  }
0x109: {  	[tilespmem:s9], [sflag:$0x3] =	stream.indirect_vreg.gather [hbm4b:s1+s3], $0x80, v4, vm0, $0xb8;
	[tilespmem:$0x18180] =	vst v63  }
0x10a: {  	s10 =	rddreg [dreg:$0x1f]  }
0x10b: {  	[tilespmem:s10], [sflag:$0x3] =	stream.indirect_vreg.gather [hbm4b:s1+s3], $0x80, v3, vm0, $0xb8;
	[tilespmem:$0x18180] =	vst v63  }
0x10c: {  	v3 =	vld [tilespmem:$0x130];
	_ =	sdelay $0x4  }
0x10d: {  	v51 =	vshll.u32 v3, $0x1  }
0x10e: {  	v3 =	vand.u32 $0x7, v3;
	v4 =	vand.u32 $0xFFFFFFF0, v51  }
0x10f: {  	v3 =	vor.u32 v3, v4  }
0x110: {  	v4 =	vperm.xlane v3, v0;
	_ =	sdelay $0x1  }
0x111: {  	v3 =	vperm.xlane v3, v2;
	v4 =	vadd.s32 v1, v4;
	_ =	sdelay $0x1  }
0x112: {  	s9 =	sld [smem:$0x7F4];
	v3 =	vadd.s32 v1, v3;
	_ =	sdelay $0x1  }
0x113: {  	s10 =	sld [smem:$0x7F5]  }
0x114: {  	[tilespmem:s9], [sflag:$0x3] =	stream.indirect_vreg.gather [hbm4b:s1+s3], $0x80, v4, vm0, $0xb8;
	[tilespmem:$0x18180] =	vst v63  }
0x115: {  	_ = 	snop  }
0x116: {  	[tilespmem:s10], [sflag:$0x3] =	stream.indirect_vreg.gather [hbm4b:s1+s3], $0x80, v3, vm0, $0xb8;
	[tilespmem:$0x18180] =	vst v63  }
0x117: {  	v3 =	vld [tilespmem:$0x140];
	_ =	sdelay $0x4  }
0x118: {  	v52 =	vshll.u32 v3, $0x1  }
0x119: {  	v3 =	vand.u32 $0x7, v3;
	v4 =	vand.u32 $0xFFFFFFF0, v52  }
0x11a: {  	v3 =	vor.u32 v3, v4  }
0x11b: {  	v4 =	vperm.xlane v3, v0;
	_ =	sdelay $0x1  }
0x11c: {  	v3 =	vperm.xlane v3, v2;
	v4 =	vadd.s32 v1, v4;
	_ =	sdelay $0x1  }
0x11d: {  	s9 =	sld [smem:$0x7F6];
	v3 =	vadd.s32 v1, v3;
	_ =	sdelay $0x1  }
0x11e: {  	s10 =	sld [smem:$0x7F7]  }
0x11f: {  	[tilespmem:s9], [sflag:$0x3] =	stream.indirect_vreg.gather [hbm4b:s1+s3], $0x80, v4, vm0, $0xb8;
	[tilespmem:$0x18180] =	vst v63  }
0x120: {  	_ = 	snop  }
0x121: {  	[tilespmem:s10], [sflag:$0x3] =	stream.indirect_vreg.gather [hbm4b:s1+s3], $0x80, v3, vm0, $0xb8;
	[tilespmem:$0x18180] =	vst v63  }
0x122: {  	v3 =	vld [tilespmem:$0x150];
	_ =	sdelay $0x4  }
0x123: {  	v53 =	vshll.u32 v3, $0x1  }
0x124: {  	v3 =	vand.u32 $0x7, v3;
	v4 =	vand.u32 $0xFFFFFFF0, v53  }
0x125: {  	v3 =	vor.u32 v3, v4  }
0x126: {  	v4 =	vperm.xlane v3, v0;
	_ =	sdelay $0x1  }
0x127: {  	v3 =	vperm.xlane v3, v2;
	v4 =	vadd.s32 v1, v4;
	_ =	sdelay $0x1  }
0x128: {  	s9 =	sld [smem:$0x7F8];
	v3 =	vadd.s32 v1, v3;
	_ =	sdelay $0x1  }
0x129: {  	s10 =	sld [smem:$0x7F9]  }
0x12a: {  	[tilespmem:s9], [sflag:$0x3] =	stream.indirect_vreg.gather [hbm4b:s1+s3], $0x80, v4, vm0, $0xb8;
	[tilespmem:$0x18180] =	vst v63  }
0x12b: {  	_ = 	snop  }
0x12c: {  	[tilespmem:s10], [sflag:$0x3] =	stream.indirect_vreg.gather [hbm4b:s1+s3], $0x80, v3, vm0, $0xb8;
	[tilespmem:$0x18180] =	vst v63  }
0x12d: {  	v3 =	vld [tilespmem:$0x160];
	_ =	sdelay $0x4  }
0x12e: {  	v54 =	vshll.u32 v3, $0x1  }
0x12f: {  	v3 =	vand.u32 $0x7, v3;
	v4 =	vand.u32 $0xFFFFFFF0, v54  }
0x130: {  	v3 =	vor.u32 v3, v4  }
0x131: {  	v4 =	vperm.xlane v3, v0;
	_ =	sdelay $0x1  }
0x132: {  	v3 =	vperm.xlane v3, v2;
	v4 =	vadd.s32 v1, v4;
	_ =	sdelay $0x1  }
0x133: {  	s9 =	sld [smem:$0x7FA];
	v3 =	vadd.s32 v1, v3;
	_ =	sdelay $0x1  }
0x134: {  	s10 =	sld [smem:$0x7FB]  }
0x135: {  	[tilespmem:s9], [sflag:$0x3] =	stream.indirect_vreg.gather [hbm4b:s1+s3], $0x80, v4, vm0, $0xb8;
	[tilespmem:$0x18180] =	vst v63  }
0x136: {  	_ = 	snop  }
0x137: {  	[tilespmem:s10], [sflag:$0x3] =	stream.indirect_vreg.gather [hbm4b:s1+s3], $0x80, v3, vm0, $0xb8;
	[tilespmem:$0x18180] =	vst v63  }
0x138: {  	v3 =	vld [tilespmem:$0x170];
	_ =	sdelay $0x4  }
0x139: {  	v55 =	vshll.u32 v3, $0x1  }
0x13a: {  	v3 =	vand.u32 $0x7, v3;
	v4 =	vand.u32 $0xFFFFFFF0, v55  }
0x13b: {  	v3 =	vor.u32 v3, v4  }
0x13c: {  	v4 =	vperm.xlane v3, v0;
	_ =	sdelay $0x1  }
0x13d: {  	v3 =	vperm.xlane v3, v2;
	v4 =	vadd.s32 v1, v4;
	_ =	sdelay $0x1  }
0x13e: {  	s9 =	sld [smem:$0x7FC];
	v3 =	vadd.s32 v1, v3;
	_ =	sdelay $0x1  }
0x13f: {  	s10 =	sld [smem:$0x7FD]  }
0x140: {  	[tilespmem:s9], [sflag:$0x3] =	stream.indirect_vreg.gather [hbm4b:s1+s3], $0x80, v4, vm0, $0xb8;
	[tilespmem:$0x18180] =	vst v63  }
0x141: {  	_ = 	snop  }
0x142: {  	[tilespmem:s10], [sflag:$0x3] =	stream.indirect_vreg.gather [hbm4b:s1+s3], $0x80, v3, vm0, $0xb8;
	[tilespmem:$0x18180] =	vst v63  }
0x143: {  	s10 =	simm.s32 $0x2  }
0x144: {  	_ =	swait.ge [sflag:s10], $0x8000  }
0x145: {  	[sflag:s10] =	ssyncset.done $0x0  }
0x146: {  	s9 =	rddreg [dreg:$0x7];
	[sflag:s10] =	ssyncadd.s32 $0xFFFF8000  }
0x147: {  	[hbm4b:s9+s26] =	stream.strided.scatter [tilespmem:s29], [sflag:$0x5], $0x8000, s28, s26, $0x38;
	[tilespmem:$0x18180] =	vst v63  }
0x148: {  	_ =	swait.ge [sflag:s31], $0x8000  }
0x149: {  	[sflag:s31] =	ssyncset.done $0x0  }
0x14a: {  	s10 =	rddreg [dreg:$0x8];
	[sflag:s31] =	ssyncadd.s32 $0xFFFF8000  }
0x14b: {  	[tilespmem:s3], [sflag:$0x7] =	stream.linear.gather [hbm4b:s10+s3], $0x80, $0x38;
	[tilespmem:$0x18180] =	vst v63  }
0x14c: {  	_ =	swait.ge [sflag:s7], $0x80  }
0x14d: {  	[sflag:s7] =	ssyncset.done $0x0  }
0x14e: {  	[sflag:s7] =	ssyncadd.s32 $0xFFFFFF80  }
0x14f: {  	v3 =	vld [tilespmem:$0x0];
	_ =	sdelay $0x4  }
0x150: {  	v56 =	vshll.u32 v3, $0x1  }
0x151: {  	v3 =	vand.u32 $0x7, v3;
	v4 =	vand.u32 $0xFFFFFFF0, v56  }
0x152: {  	v3 =	vor.u32 v3, v4  }
0x153: {  	v4 =	vperm.xlane v3, v0;
	_ =	sdelay $0x1  }
0x154: {  	v3 =	vperm.xlane v3, v2;
	v4 =	vadd.s32 v1, v4;
	_ =	sdelay $0x1  }
0x155: {  	v3 =	vadd.s32 v1, v3;
	_ =	sdelay $0x2  }
0x156: {  	[tilespmem:s8], [sflag:$0x1] =	stream.indirect_vreg.gather [hbm4b:s1+s3], $0x80, v4, vm0, $0xb8;
	[tilespmem:$0x18180] =	vst v63  }
0x157: {  	_ = 	snop  }
0x158: {  	[tilespmem:s4], [sflag:$0x1] =	stream.indirect_vreg.gather [hbm4b:s1+s3], $0x80, v3, vm0, $0xb8;
	[tilespmem:$0x18180] =	vst v63  }
0x159: {  	v3 =	vld [tilespmem:$0x10];
	_ =	sdelay $0x4  }
0x15a: {  	v57 =	vshll.u32 v3, $0x1  }
0x15b: {  	v3 =	vand.u32 $0x7, v3;
	v4 =	vand.u32 $0xFFFFFFF0, v57  }
0x15c: {  	v3 =	vor.u32 v3, v4  }
0x15d: {  	v4 =	vperm.xlane v3, v0;
	_ =	sdelay $0x1  }
0x15e: {  	v3 =	vperm.xlane v3, v2;
	v4 =	vadd.s32 v1, v4;
	_ =	sdelay $0x1  }
0x15f: {  	v3 =	vadd.s32 v1, v3;
	_ =	sdelay $0x2  }
0x160: {  	[tilespmem:s11], [sflag:$0x1] =	stream.indirect_vreg.gather [hbm4b:s1+s3], $0x80, v4, vm0, $0xb8;
	[tilespmem:$0x18180] =	vst v63  }
0x161: {  	_ = 	snop  }
0x162: {  	[tilespmem:s12], [sflag:$0x1] =	stream.indirect_vreg.gather [hbm4b:s1+s3], $0x80, v3, vm0, $0xb8;
	[tilespmem:$0x18180] =	vst v63  }
0x163: {  	v3 =	vld [tilespmem:$0x20];
	_ =	sdelay $0x4  }
0x164: {  	v58 =	vshll.u32 v3, $0x1  }
0x165: {  	v3 =	vand.u32 $0x7, v3;
	v4 =	vand.u32 $0xFFFFFFF0, v58  }
0x166: {  	v3 =	vor.u32 v3, v4  }
0x167: {  	v4 =	vperm.xlane v3, v0;
	_ =	sdelay $0x1  }
0x168: {  	v3 =	vperm.xlane v3, v2;
	v4 =	vadd.s32 v1, v4;
	_ =	sdelay $0x1  }
0x169: {  	v3 =	vadd.s32 v1, v3;
	_ =	sdelay $0x2  }
0x16a: {  	[tilespmem:s13], [sflag:$0x1] =	stream.indirect_vreg.gather [hbm4b:s1+s3], $0x80, v4, vm0, $0xb8;
	[tilespmem:$0x18180] =	vst v63  }
0x16b: {  	_ = 	snop  }
0x16c: {  	[tilespmem:s14], [sflag:$0x1] =	stream.indirect_vreg.gather [hbm4b:s1+s3], $0x80, v3, vm0, $0xb8;
	[tilespmem:$0x18180] =	vst v63  }
0x16d: {  	v3 =	vld [tilespmem:$0x30];
	_ =	sdelay $0x4  }
0x16e: {  	v59 =	vshll.u32 v3, $0x1  }
0x16f: {  	v3 =	vand.u32 $0x7, v3;
	v4 =	vand.u32 $0xFFFFFFF0, v59  }
0x170: {  	v3 =	vor.u32 v3, v4  }
0x171: {  	v4 =	vperm.xlane v3, v0;
	_ =	sdelay $0x1  }
0x172: {  	v3 =	vperm.xlane v3, v2;
	v4 =	vadd.s32 v1, v4;
	_ =	sdelay $0x1  }
0x173: {  	v3 =	vadd.s32 v1, v3;
	_ =	sdelay $0x2  }
0x174: {  	[tilespmem:s15], [sflag:$0x1] =	stream.indirect_vreg.gather [hbm4b:s1+s3], $0x80, v4, vm0, $0xb8;
	[tilespmem:$0x18180] =	vst v63  }
0x175: {  	_ = 	snop  }
0x176: {  	[tilespmem:s16], [sflag:$0x1] =	stream.indirect_vreg.gather [hbm4b:s1+s3], $0x80, v3, vm0, $0xb8;
	[tilespmem:$0x18180] =	vst v63  }
0x177: {  	v3 =	vld [tilespmem:$0x40];
	_ =	sdelay $0x4  }
0x178: {  	v60 =	vshll.u32 v3, $0x1  }
0x179: {  	v3 =	vand.u32 $0x7, v3;
	v4 =	vand.u32 $0xFFFFFFF0, v60  }
0x17a: {  	v3 =	vor.u32 v3, v4  }
0x17b: {  	v4 =	vperm.xlane v3, v0;
	_ =	sdelay $0x1  }
0x17c: {  	v3 =	vperm.xlane v3, v2;
	v4 =	vadd.s32 v1, v4;
	_ =	sdelay $0x1  }
0x17d: {  	v3 =	vadd.s32 v1, v3;
	_ =	sdelay $0x2  }
0x17e: {  	[tilespmem:s17], [sflag:$0x1] =	stream.indirect_vreg.gather [hbm4b:s1+s3], $0x80, v4, vm0, $0xb8;
	[tilespmem:$0x18180] =	vst v63  }
0x17f: {  	_ = 	snop  }
0x180: {  	[tilespmem:s18], [sflag:$0x1] =	stream.indirect_vreg.gather [hbm4b:s1+s3], $0x80, v3, vm0, $0xb8;
	[tilespmem:$0x18180] =	vst v63  }
0x181: {  	v3 =	vld [tilespmem:$0x50];
	_ =	sdelay $0x4  }
0x182: {  	v61 =	vshll.u32 v3, $0x1  }
0x183: {  	v3 =	vand.u32 $0x7, v3;
	v4 =	vand.u32 $0xFFFFFFF0, v61  }
0x184: {  	v3 =	vor.u32 v3, v4  }
0x185: {  	v4 =	vperm.xlane v3, v0;
	_ =	sdelay $0x1  }
0x186: {  	v3 =	vperm.xlane v3, v2;
	v4 =	vadd.s32 v1, v4;
	_ =	sdelay $0x1  }
0x187: {  	v3 =	vadd.s32 v1, v3;
	_ =	sdelay $0x2  }
0x188: {  	[tilespmem:s19], [sflag:$0x1] =	stream.indirect_vreg.gather [hbm4b:s1+s3], $0x80, v4, vm0, $0xb8;
	[tilespmem:$0x18180] =	vst v63  }
0x189: {  	_ = 	snop  }
0x18a: {  	[tilespmem:s20], [sflag:$0x1] =	stream.indirect_vreg.gather [hbm4b:s1+s3], $0x80, v3, vm0, $0xb8;
	[tilespmem:$0x18180] =	vst v63  }
0x18b: {  	v3 =	vld [tilespmem:$0x60];
	_ =	sdelay $0x4  }
0x18c: {  	v62 =	vshll.u32 v3, $0x1  }
0x18d: {  	v3 =	vand.u32 $0x7, v3;
	v4 =	vand.u32 $0xFFFFFFF0, v62  }
0x18e: {  	v3 =	vor.u32 v3, v4  }
0x18f: {  	v4 =	vperm.xlane v3, v0;
	_ =	sdelay $0x1  }
0x190: {  	v3 =	vperm.xlane v3, v2;
	v4 =	vadd.s32 v1, v4;
	_ =	sdelay $0x1  }
0x191: {  	v3 =	vadd.s32 v1, v3;
	_ =	sdelay $0x2  }
0x192: {  	[tilespmem:s21], [sflag:$0x1] =	stream.indirect_vreg.gather [hbm4b:s1+s3], $0x80, v4, vm0, $0xb8;
	[tilespmem:$0x18180] =	vst v63  }
0x193: {  	_ = 	snop  }
0x194: {  	[tilespmem:s22], [sflag:$0x1] =	stream.indirect_vreg.gather [hbm4b:s1+s3], $0x80, v3, vm0, $0xb8;
	[tilespmem:$0x18180] =	vst v63  }
0x195: {  	v3 =	vld [tilespmem:$0x70];
	_ =	sdelay $0x4  }
0x196: {  	v63 =	vshll.u32 v3, $0x1  }
0x197: {  	v3 =	vand.u32 $0x7, v3;
	v4 =	vand.u32 $0xFFFFFFF0, v63  }
0x198: {  	v3 =	vor.u32 v3, v4  }
0x199: {  	v4 =	vperm.xlane v3, v0;
	_ =	sdelay $0x1  }
0x19a: {  	v3 =	vperm.xlane v3, v2;
	v4 =	vadd.s32 v1, v4;
	_ =	sdelay $0x1  }
0x19b: {  	v3 =	vadd.s32 v1, v3;
	_ =	sdelay $0x2  }
0x19c: {  	[tilespmem:s23], [sflag:$0x1] =	stream.indirect_vreg.gather [hbm4b:s1+s3], $0x80, v4, vm0, $0xb8;
	[tilespmem:$0x18180] =	vst v63  }
0x19d: {  	_ = 	snop  }
0x19e: {  	[tilespmem:s24], [sflag:$0x1] =	stream.indirect_vreg.gather [hbm4b:s1+s3], $0x80, v3, vm0, $0xb8;
	[tilespmem:$0x18180] =	vst v63  }
0x19f: {  	_ =	swait.ge [sflag:s2], $0x8000  }
0x1a0: {  	[sflag:s2] =	ssyncset.done $0x0  }
0x1a1: {  	s10 =	rddreg [dreg:$0x9];
	[sflag:s2] =	ssyncadd.s32 $0xFFFF8000  }
0x1a2: {  	[hbm4b:s10+s26] =	stream.strided.scatter [tilespmem:s30], [sflag:$0x6], $0x8000, s28, s26, $0x38;
	[tilespmem:$0x18180] =	vst v63  }
0x1a3: {  	_ =	swait.ge [sflag:s25], $0x8000  }
0x1a4: {  	[sflag:s25] =	ssyncset.done $0x0  }
0x1a5: {  	s10 =	rddreg [dreg:$0xa];
	[sflag:s25] =	ssyncadd.s32 $0xFFFF8000  }
0x1a6: {  	[hbm4b:s10+s26] =	stream.strided.scatter [tilespmem:s8], [sflag:$0x4], $0x8000, s28, s26, $0x38;
	[tilespmem:$0x18180] =	vst v63  }
0x1a7: {  	_ =	swait.ge [sflag:s0], $0x8000  }
0x1a8: {  	[sflag:s0] =	ssyncset.done $0x0  }
0x1a9: {  	[sflag:s0] =	ssyncadd.s32 $0xFFFF8000  }
0x1aa: {  	p0 =	sne.s32 s6, $0x1;
	_ =	swait.ge [sflag:s5], $0x8000  }
.Ltmp0:
0x1ab: {  	[sflag:s5] =	ssyncset.done $0x0;
	(pc) =	sbr.rel @p0 .LBB2_1-.Ltmp0, $4  }
0x1ac: {  	[sflag:s5] =	ssyncadd.s32 $0xFFFF8000  }
0x1ad: {  	_ =	swait.ge [sflag:s31], $0x8000  }
0x1ae: {  	[sflag:s31] =	ssyncset.done $0x0  }
0x1af: {  	s6 =	sadd.s32 $0xFFFFFFFF, s6;
	[sflag:s31] =	ssyncadd.s32 $0xFFFF8000  }
0x1b0: {  	_ =	sfence.sel $0x180000  }
0x1b1: {  	[bflag:$0x0] =	sbarrier.arrive $0xFFFF  }
0x1b2: {  	_ =	strace $0x90000047  }
0x1b3: {  	s0 =	stileid.u32;
	[bflag:$0x2] =	sbarrier.arrive $0xFFFF  }
0x1b4: {  	p0 =	sne.s32 s0, $0x0;
	s0 =	rddreg [dreg:$0x3]  }
0x1b5: {  	s0 =	sadd.s32 @!p0 $0x100000, s0  }
0x1b6: {  	[sflag:s0] =	ssyncadd.tile.s32 @!p0 $0x1;
	_ =	shalt  }
.Lfunc_end2:
_tile_overlayer_lowered:
.L_overlay_start_2:
0x1b7: {  	(tag) =	ssettag $0x2  }
0x1b8: {  	s0 =	rddreg [dreg:$0x0];
	s2 =	stileid.u32  }
0x1b9: {  	s1 =	rddreg [dreg:$0x1];
	p0 =	sne.s32 s2, $0x0  }
0x1ba: {  	s3 =	rddreg [dreg:$0x2];
	[bflag:$0x3] =	sbarrier.arrive $0xFFFF;
	s2 =	simm.s32 @!p0 $0x1C07  }
0x1bb: {  	[timem:s3], [sflag:s2] =	dma.local @!p0 [hbm:s0], s1  }
0x1bc: {  	s0 =	simm.s32 @!p0 $0x7  }
0x1bd: {  	_ =	swait.ge @!p0 [sflag:s0], s1  }
0x1be: {  	s1 =	ssub.s32 @!p0 $0x0, s1;
	[sflag:s0] =	ssyncset.done @!p0 $0x0  }
0x1bf: {  	[sflag:s0] =	ssyncadd.s32 @!p0 s1  }
0x1c0: {  	[bflag:$0x3] =	sbarrier.arrive $0xFFFF  }
0x1c1: {  	_ =	shalt  }

</sc_bundles>
